<compile_context>
chip_gen: v7x
topology: tpu7x:2x2x1
jax: 0.10.2.dev20260603
libtpu: 0.0.44.dev20260713+nightly
codegen_flags: <defaults>
</compile_context>

<pallas_src>
import functools

import jax
import jax.numpy as jnp
from jax import lax
from jax.experimental import pallas as pl
from jax.experimental.pallas import tpu as pltpu
from jax.experimental.pallas import tpu_sc as plsc

D = 128
WP = 8
CH = 80
NSUB = 16


def _sc_segment_sums(T, Tp, src3, dst3, nc, niter, n_out, acc_rows):
    rps = acc_rows // NSUB
    rpo = n_out // NSUB
    mesh = plsc.VectorSubcoreMesh(core_axis_name="c", subcore_axis_name="s")

    @functools.partial(
        pl.kernel,
        out_type=(
            jax.ShapeDtypeStruct((nc, n_out, D), jnp.bfloat16),
            jax.ShapeDtypeStruct((nc, n_out, D), jnp.float32),
        ),
        mesh=mesh,
        compiler_params=pltpu.CompilerParams(use_tc_tiling_on_sc=False),
        scratch_types=[
            pltpu.VMEM((niter, CH), jnp.int32),
            pltpu.VMEM((niter, CH), jnp.int32),
            pltpu.VMEM((CH, D), jnp.bfloat16),
            pltpu.VMEM((CH, D), jnp.bfloat16),
            pltpu.VMEM((CH, WP), jnp.float32),
            pltpu.VMEM((CH, WP), jnp.float32),
            pltpu.VMEM((CH, 16), jnp.float32),
            pltpu.VMEM_SHARED((acc_rows, D), jnp.bfloat16),
            pltpu.VMEM_SHARED((acc_rows, WP), jnp.float32),
            pltpu.SemaphoreType.DMA,
            pltpu.SemaphoreType.DMA,
            pltpu.SemaphoreType.DMA,
            pltpu.SemaphoreType.DMA,
            pltpu.SemaphoreType.DMA,
            pltpu.SemaphoreType.DMA,
        ],
    )
    def sc_kernel(t_hbm, tp_hbm, src_hbm, dst_hbm, outx_hbm, outp_hbm,
                  src_v, dst_v, rxa, rxb, rpa, rpb, zf, accx, accp,
                  semxa, semxb, sempa, sempb, semsx, semsp):
        c = lax.axis_index("c")
        s = lax.axis_index("s")
        wid = s * nc + c

        zero16f = jnp.zeros((16,), jnp.float32)
        zero32b = jnp.zeros((32,), jnp.bfloat16)

        def zbody(i, carry):
            r = i // (D // 32)
            col = (i % (D // 32)) * 32
            rxa[r, pl.ds(col, 32)] = zero32b
            return carry

        lax.fori_loop(0, CH * (D // 32), zbody, 0)

        def zfbody(i, carry):
            zf[i, pl.ds(0, 16)] = zero16f
            return carry

        lax.fori_loop(0, CH, zfbody, 0)

        base = s * rps
        done = 0
        while done < rps:
            step = min(CH, rps - done)
            pltpu.sync_copy(rxa.at[pl.ds(0, step)],
                            accx.at[pl.ds(base + done, step)])
            pltpu.sync_copy(zf.at[pl.ds(0, step), pl.ds(0, WP)],
                            accp.at[pl.ds(base + done, step)])
            done += step
        plsc.subcore_barrier()

        pltpu.sync_copy(src_hbm.at[wid], src_v)
        pltpu.sync_copy(dst_hbm.at[wid], dst_v)

        def gather(j, rx, rp, semx, semp):
            pltpu.async_copy(t_hbm.at[src_v.at[j]], rx, semx)
            pltpu.async_copy(tp_hbm.at[src_v.at[j]], rp, semp)

        def drain_scatter(j, rx, rp, semx, semp):
            pltpu.make_async_copy(t_hbm.at[src_v.at[j]], rx, semx).wait()
            pltpu.make_async_copy(tp_hbm.at[src_v.at[j]], rp, semp).wait()
            cx = pltpu.async_copy(rx, accx.at[dst_v.at[j]], semsx, add=True)
            cp = pltpu.async_copy(rp, accp.at[dst_v.at[j]], semsp, add=True)
            cx.wait()
            cp.wait()

        gather(0, rxa, rpa, semxa, sempa)
        if niter > 1:
            gather(1, rxb, rpb, semxb, sempb)

        def body(k, carry):
            j = 2 * k
            drain_scatter(j, rxa, rpa, semxa, sempa)

            @pl.when(j + 2 < niter)
            def _():
                gather(j + 2, rxa, rpa, semxa, sempa)

            drain_scatter(j + 1, rxb, rpb, semxb, sempb)

            @pl.when(j + 3 < niter)
            def _():
                gather(j + 3, rxb, rpb, semxb, sempb)

            return carry

        lax.fori_loop(0, niter // 2, body, 0)
        if niter % 2:
            drain_scatter(niter - 1, rxa, rpa, semxa, sempa)
        plsc.subcore_barrier()

        ob = s * rpo
        pltpu.sync_copy(accx.at[pl.ds(ob, rpo)],
                        outx_hbm.at[c, pl.ds(ob, rpo)])
        pltpu.sync_copy(accp.at[pl.ds(ob, rpo)],
                        outp_hbm.at[c, pl.ds(ob, rpo), pl.ds(0, WP)])

    return sc_kernel(T, Tp, src3, dst3)


def _posdelta(x, pos8, Wh1, bh1r, Wh2p, bh2r, bn):
    n = x.shape[0]
    nb = n // bn

    def body(x_ref, pos_ref, wh1, bh1, wh2, bh2, o_ref):
        h1 = jnp.maximum(
            jnp.dot(x_ref[...], wh1[...], preferred_element_type=jnp.float32)
            + bh1[...], 0.0)
        delta = jnp.tanh(
            jnp.dot(h1, wh2[...], preferred_element_type=jnp.float32)
            + bh2[...])
        o_ref[...] = pos_ref[...] - delta[:, :WP]

    return pl.pallas_call(
        body,
        grid=(nb,),
        in_specs=[
            pl.BlockSpec((bn, D), lambda i: (i, 0)),
            pl.BlockSpec((bn, WP), lambda i: (i, 0)),
            pl.BlockSpec((D, D), lambda i: (0, 0)),
            pl.BlockSpec((1, D), lambda i: (0, 0)),
            pl.BlockSpec((D, D), lambda i: (0, 0)),
            pl.BlockSpec((1, D), lambda i: (0, 0)),
        ],
        out_specs=pl.BlockSpec((bn, WP), lambda i: (i, 0)),
        out_shape=jax.ShapeDtypeStruct((n, WP), jnp.float32),
    )(x, pos8, Wh1, bh1r, Wh2p, bh2r)


def _combine(x, pd8, Px, Pp, Wg1p, Wg1x, bg1r, Wg2, bg2r, bn):
    n = x.shape[0]
    nb = n // bn

    def body(x_ref, pd_ref, px_ref, pp_ref,
             wg1p, wg1x, bg1, wg2, bg2, o_ref):
        xb = x_ref[...]
        pd = pd_ref[...]
        Sx = (px_ref[0].astype(jnp.float32)
              + px_ref[1].astype(jnp.float32))
        Sp = pp_ref[0][:, :WP] + pp_ref[1][:, :WP]
        cnt = Sp[:, 3:4]
        inv = 1.0 / jnp.maximum(cnt, 1.0)
        aggr_x = Sx * inv
        aggr_p = (Sp - cnt * pd) * inv
        g = jnp.maximum(
            jnp.dot(aggr_p, wg1p[...], preferred_element_type=jnp.float32)
            + jnp.dot(aggr_x, wg1x[...], preferred_element_type=jnp.float32)
            + bg1[...], 0.0)
        out = jnp.maximum(
            jnp.dot(g, wg2[...], preferred_element_type=jnp.float32)
            + bg2[...], 0.0)
        o_ref[...] = xb + out

    return pl.pallas_call(
        body,
        grid=(nb,),
        in_specs=[
            pl.BlockSpec((bn, D), lambda i: (i, 0)),
            pl.BlockSpec((bn, WP), lambda i: (i, 0)),
            pl.BlockSpec((2, bn, D), lambda i: (0, i, 0)),
            pl.BlockSpec((2, bn, D), lambda i: (0, i, 0)),
            pl.BlockSpec((WP, D), lambda i: (0, 0)),
            pl.BlockSpec((D, D), lambda i: (0, 0)),
            pl.BlockSpec((1, D), lambda i: (0, 0)),
            pl.BlockSpec((D, D), lambda i: (0, 0)),
            pl.BlockSpec((1, D), lambda i: (0, 0)),
        ],
        out_specs=pl.BlockSpec((bn, D), lambda i: (i, 0)),
        out_shape=jax.ShapeDtypeStruct((n, D), jnp.float32),
    )(x, pd8, Px, Pp, Wg1p, Wg1x, bg1r, Wg2, bg2r)


def _pick_bn(n):
    for b in range(min(2000, n), 7, -8):
        if n % b == 0:
            return b
    return None


def kernel(x, pos, edge_index, Wh1, bh1, Wh2, bh2, Wg1, bg1, Wg2, bg2):
    N = x.shape[0]
    E = edge_index.shape[1]
    nc = plsc.get_sparse_core_info().num_cores
    nw = nc * NSUB

    bn = _pick_bn(N)
    if bn is None or N % NSUB != 0:
        npad = (-N) % (NSUB * 8)
        xw = jnp.pad(x, ((0, npad), (0, 0)))
        posw = jnp.pad(pos, ((0, npad), (0, 0)))
        nw_rows = N + npad
        bn = _pick_bn(nw_rows)
    else:
        xw, posw, nw_rows = x, pos, N

    acc_rows = (nw_rows + NSUB) // NSUB * NSUB

    Tp = jnp.concatenate([posw, jnp.ones((nw_rows, 1), jnp.float32)], axis=1)
    Tp = jnp.pad(Tp, ((0, 0), (0, WP - 4)))
    pos8 = jnp.pad(posw, ((0, 0), (0, WP - 3)))

    ep = -(-E // (nw * CH)) * (nw * CH)
    src = edge_index[0]
    dst = edge_index[1]
    if ep != E:
        src = jnp.concatenate([src, jnp.zeros((ep - E,), jnp.int32)])
        dst = jnp.concatenate([dst, jnp.full((ep - E,), nw_rows, jnp.int32)])
    niter = ep // (nw * CH)
    src3 = src.reshape(nw, niter, CH)
    dst3 = dst.reshape(nw, niter, CH)

    bh1r = bh1.reshape(1, D)
    bh2r = jnp.pad(bh2, (0, D - 3)).reshape(1, D)
    bg1r = bg1.reshape(1, D)
    bg2r = bg2.reshape(1, D)
    Wh2p = jnp.pad(Wh2, ((0, 0), (0, D - 3)))
    Wg1p = jnp.pad(Wg1[:3], ((0, WP - 3), (0, 0)))
    Wg1x = Wg1[3:]

    pd8 = _posdelta(xw, pos8, Wh1, bh1r, Wh2p, bh2r, bn)
    xbf = xw.astype(jnp.bfloat16)
    Px, Pp = _sc_segment_sums(xbf, Tp, src3, dst3, nc, niter, nw_rows,
                              acc_rows)

    y = _combine(xw, pd8, Px, Pp, Wg1p, Wg1x, bg1r, Wg2, bg2r, bn)
    return y[:N] if nw_rows != N else y

# --- scband reference (transcript-rebuilt; emitter-appended) ---
"""Pipeline reference for scband-gnnconv-87875030876558 (READ-ONLY COPY).

The authoritative reference and input builder live on the scoring server;
editing this copy changes nothing except your own understanding.
"""

import jax, jax.numpy as jnp
import numpy as np

N = 10000
E = 320000
D = 128


def setup_inputs(seed: int = 0) -> dict:
    key = jax.random.key(seed)
    ks = jax.random.split(key, 12)
    inp = {}
    inp["x"] = jax.random.normal(ks[0], (N, D), dtype=jnp.float32)
    inp["pos"] = jax.random.normal(ks[1], (N, 3), dtype=jnp.float32)
    inp["edge_index"] = jax.random.randint(ks[2], (2, E), 0, N)
    s = 0.05
    # mlp_h: Linear(D, D) -> ReLU -> Linear(D, 3) -> Tanh
    inp["Wh1"] = jax.random.normal(ks[3], (D, D), dtype=jnp.float32) * s
    inp["bh1"] = jnp.zeros((D,), dtype=jnp.float32)
    inp["Wh2"] = jax.random.normal(ks[4], (D, 3), dtype=jnp.float32) * s
    inp["bh2"] = jnp.zeros((3,), dtype=jnp.float32)
    # mlp_g: Linear(D+3, D) -> ReLU -> Linear(D, D) -> ReLU
    inp["Wg1"] = jax.random.normal(ks[5], (D + 3, D), dtype=jnp.float32) * s
    inp["bg1"] = jnp.zeros((D,), dtype=jnp.float32)
    inp["Wg2"] = jax.random.normal(ks[6], (D, D), dtype=jnp.float32) * s
    inp["bg2"] = jnp.zeros((D,), dtype=jnp.float32)
    return inp


def reference(x, pos, edge_index, Wh1, bh1, Wh2, bh2, Wg1, bg1, Wg2, bg2):
    # delta = mlp_h(x): Linear -> ReLU -> Linear -> Tanh, output [N, 3]
    delta = jnp.tanh(jnp.maximum(x @ Wh1 + bh1, 0.0) @ Wh2 + bh2)
    src = edge_index[0]  # j (source)
    dst = edge_index[1]  # i (target), PyG default flow source_to_target
    # message: cat([pos_j - pos_i + delta_i, x_j], dim=-1) -> [E, 3 + D]
    msg = jnp.concatenate([pos[src] - pos[dst] + delta[dst], x[src]], axis=-1)
    # aggr='mean' over target nodes
    summed = jax.ops.segment_sum(msg, dst, num_segments=N)
    cnt = jax.ops.segment_sum(jnp.ones((E,), dtype=msg.dtype), dst, num_segments=N)
    aggr = summed / jnp.maximum(cnt, 1.0)[:, None]
    # mlp_g(out): Linear(D+3, D) -> ReLU -> Linear(D, D) -> ReLU
    h = jnp.maximum(aggr @ Wg1 + bg1, 0.0)
    out = jnp.maximum(h @ Wg2 + bg2, 0.0)
    return x + out

if __name__ == "__main__":
    import jax
    _d = setup_inputs()
    print(jax.jit(kernel)(*tuple(_d.values())))

</pallas_src>

<mosaic_0001>
#map = affine_map<(d0, d1) -> (0, 0)>
#map1 = affine_map<(d0, d1) -> (0, 0, 0)>
module attributes {stable_mosaic.version = 14 : i64} {
  func.func @sc_kernel(%arg0: i32, %arg1: i32, %arg2: memref<10000x128xbf16, #tpu.memory_space<hbm>>, %arg3: memref<10000x8xf32, #tpu.memory_space<hbm>>, %arg4: memref<32x125x80xi32, #tpu.memory_space<hbm>>, %arg5: memref<32x125x80xi32, #tpu.memory_space<hbm>>, %arg6: memref<2x10000x128xbf16, #tpu.memory_space<hbm>>, %arg7: memref<2x10000x128xf32, #tpu.memory_space<hbm>>, %arg8: memref<125x80xi32, #tpu.memory_space<vmem>>, %arg9: memref<125x80xi32, #tpu.memory_space<vmem>>, %arg10: memref<80x128xbf16, #tpu.memory_space<vmem>>, %arg11: memref<80x128xbf16, #tpu.memory_space<vmem>>, %arg12: memref<80x8xf32, #tpu.memory_space<vmem>>, %arg13: memref<80x8xf32, #tpu.memory_space<vmem>>, %arg14: memref<80x16xf32, #tpu.memory_space<vmem>>, %arg15: memref<10016x128xbf16, #tpu.memory_space<vmem_shared>>, %arg16: memref<10016x8xf32, #tpu.memory_space<vmem_shared>>, %arg17: memref<!tpu.dma_semaphore, #tpu.memory_space<semaphore_mem>>, %arg18: memref<!tpu.dma_semaphore, #tpu.memory_space<semaphore_mem>>, %arg19: memref<!tpu.dma_semaphore, #tpu.memory_space<semaphore_mem>>, %arg20: memref<!tpu.dma_semaphore, #tpu.memory_space<semaphore_mem>>, %arg21: memref<!tpu.dma_semaphore, #tpu.memory_space<semaphore_mem>>, %arg22: memref<!tpu.dma_semaphore, #tpu.memory_space<semaphore_mem>>) attributes {dimension_semantics = [#tpu.dimension_semantics<core_parallel>, #tpu.dimension_semantics<subcore_parallel>], iteration_bounds = array<i64: 2, 16>, scalar_prefetch = 0 : i64, scratch_operands = 15 : i64, tpu.core_type = #tpu.core_type<sc_vector_subcore>, window_params = [{transform_indices = #map}, {transform_indices = #map}, {transform_indices = #map1}, {transform_indices = #map1}, {transform_indices = #map1}, {transform_indices = #map1}]} {
    %mul3A = arith.constant 2 : i32
    %mul3A_0 = arith.muli %arg1, %mul3A : i32
    %add3A = arith.addi %mul3A_0, %arg0 : i32
    %broadcast_in_dim3A = arith.constant 0.000000e+00 : f32
    %broadcast_in_dim3A_1 = vector.broadcast %broadcast_in_dim3A : f32 to vector<16xf32>
    %broadcast_in_dim3A_2 = arith.constant 0.000000e+00 : bf16
    %broadcast_in_dim3A_3 = vector.broadcast %broadcast_in_dim3A_2 : bf16 to vector<32xbf16>
    %scan3A = arith.constant 0 : i32
    %scan3A_4 = arith.constant 0 : i32
    %scan3A_5 = arith.constant 320 : i32
    %scan3A_6 = arith.addi %scan3A_4, %scan3A_5 : i32
    %scan3A_7 = arith.constant 1 : i32
    scf.for %scan3A_126 = %scan3A_4 to %scan3A_6 step %scan3A_7  : i32 {
      %jit3A = arith.constant 4 : i32
      %div3A = arith.divsi %scan3A_126, %jit3A : i32
      %sign3A = arith.constant 0 : i32
      %sign3A_127 = arith.cmpi sgt, %scan3A_126, %sign3A : i32
      %sign3A_128 = arith.extui %sign3A_127 : i1 to i32
      %sign3A_129 = arith.constant 0 : i32
      %sign3A_130 = arith.cmpi slt, %scan3A_126, %sign3A_129 : i32
      %sign3A_131 = arith.extui %sign3A_130 : i1 to i32
      %sign3A_132 = arith.subi %sign3A_128, %sign3A_131 : i32
      %sign3A_133 = arith.constant 0 : i32
      %sign3A_134 = arith.cmpi sgt, %jit3A, %sign3A_133 : i32
      %sign3A_135 = arith.extui %sign3A_134 : i1 to i32
      %sign3A_136 = arith.constant 0 : i32
      %sign3A_137 = arith.cmpi slt, %jit3A, %sign3A_136 : i32
      %sign3A_138 = arith.extui %sign3A_137 : i1 to i32
      %sign3A_139 = arith.subi %sign3A_135, %sign3A_138 : i32
      %ne3A = arith.cmpi ne, %sign3A_132, %sign3A_139 : i32
      %rem3A = arith.remsi %scan3A_126, %jit3A : i32
      %ne3A_140 = arith.constant 0 : i32
      %ne3A_141 = arith.cmpi ne, %rem3A, %ne3A_140 : i32
      %and3A = arith.andi %ne3A, %ne3A_141 : i1
      %sub3A = arith.constant 1 : i32
      %sub3A_142 = arith.subi %div3A, %sub3A : i32
      %select_n3A = arith.select %and3A, %sub3A_142, %div3A : i32
      %jit3A_143 = arith.constant 4 : i32
      %eq3A = arith.constant 0 : i32
      %eq3A_144 = arith.cmpi eq, %jit3A_143, %eq3A : i32
      %jit3A_145 = arith.constant 1 : i32
      %select_n3A_146 = arith.select %eq3A_144, %jit3A_145, %jit3A_143 : i32
      %rem3A_147 = arith.remsi %scan3A_126, %select_n3A_146 : i32
      %ne3A_148 = arith.constant 0 : i32
      %ne3A_149 = arith.cmpi ne, %rem3A_147, %ne3A_148 : i32
      %lt3A = arith.constant 0 : i32
      %lt3A_150 = arith.cmpi slt, %rem3A_147, %lt3A : i32
      %lt3A_151 = arith.constant 0 : i32
      %lt3A_152 = arith.cmpi slt, %select_n3A_146, %lt3A_151 : i32
      %ne3A_153 = arith.xori %lt3A_150, %lt3A_152 : i1
      %and3A_154 = arith.andi %ne3A_153, %ne3A_149 : i1
      %add3A_155 = arith.addi %rem3A_147, %select_n3A_146 : i32
      %select_n3A_156 = arith.select %and3A_154, %add3A_155, %rem3A_147 : i32
      %mul3A_157 = arith.constant 32 : i32
      %mul3A_158 = arith.muli %select_n3A_156, %mul3A_157 : i32
      %swap3A = arith.index_cast %select_n3A : i32 to index
      %swap3A_159 = arith.index_cast %mul3A_158 : i32 to index
      %swap3A_160 = tpu.vector_load %arg10[%swap3A, %swap3A_159] {strides = array<i32>} : memref<80x128xbf16, #tpu.memory_space<vmem>>, vector<1x32xbf16>,
      %swap3A_161 = vector.shape_cast %swap3A_160 : vector<1x32xbf16> to vector<32xbf16>
      %swap3A_162 = vector.shape_cast %broadcast_in_dim3A_3 : vector<32xbf16> to vector<1x32xbf16>
      tpu.vector_store %arg10[%swap3A, %swap3A_159], %swap3A_162 {strides = array<i32>} : memref<80x128xbf16, #tpu.memory_space<vmem>>, vector<1x32xbf16>,
    }
    %scan3A_8 = arith.constant 320 : i32
    %scan3A_9 = arith.constant 0 : i32
    %scan3A_10 = arith.constant 0 : i32
    %scan3A_11 = arith.constant 80 : i32
    %scan3A_12 = arith.addi %scan3A_10, %scan3A_11 : i32
    %scan3A_13 = arith.constant 1 : i32
    scf.for %scan3A_126 = %scan3A_10 to %scan3A_12 step %scan3A_13  : i32 {
      %swap3A = arith.index_cast %scan3A_126 : i32 to index
      %swap3A_127 = arith.constant 0 : index
      %swap3A_128 = tpu.vector_load %arg14[%swap3A, %swap3A_127] {strides = array<i32>} : memref<80x16xf32, #tpu.memory_space<vmem>>, vector<1x16xf32>,
      %swap3A_129 = vector.shape_cast %swap3A_128 : vector<1x16xf32> to vector<16xf32>
      %swap3A_130 = vector.shape_cast %broadcast_in_dim3A_1 : vector<16xf32> to vector<1x16xf32>
      tpu.vector_store %arg14[%swap3A, %swap3A_127], %swap3A_130 {strides = array<i32>} : memref<80x16xf32, #tpu.memory_space<vmem>>, vector<1x16xf32>,
    }
    %scan3A_14 = arith.constant 80 : i32
    %mul3A_15 = arith.constant 626 : i32
    %mul3A_16 = arith.muli %arg1, %mul3A_15 : i32
    %add3A_17 = arith.constant 0 : i32
    %add3A_18 = arith.addi %mul3A_16, %add3A_17 : i32
    "tpu.region"() ({
      %run_scoped3A = tpu.sem_alloc : memref<!tpu.dma_semaphore, #tpu.memory_space<semaphore_mem>>
      %dma_start3A_126 = arith.constant 0 : i32
      %dma_start3A_127 = arith.constant 0 : i32
      %dma_start3A_128 = tpu.memref_slice %arg10[%dma_start3A_126, %dma_start3A_127] : memref<80x128xbf16, #tpu.memory_space<vmem>> -> memref<80x128xbf16, #tpu.memory_space<vmem>>
      %dma_start3A_129 = arith.constant 0 : i32
      %dma_start3A_130 = tpu.memref_slice %arg15[%add3A_18, %dma_start3A_129] : memref<10016x128xbf16, #tpu.memory_space<vmem_shared>> -> memref<80x128xbf16, #tpu.memory_space<vmem_shared>>
      %dma_start3A_131 = arith.constant 0 : i32
      %dma_start3A_132 = tpu.memref_slice %arg15[%add3A_18, %dma_start3A_131] : memref<10016x128xbf16, #tpu.memory_space<vmem_shared>> -> memref<80x128xbf16, #tpu.memory_space<vmem_shared>>
      %dma_start3A_133 = arith.constant 0 : i32
      %dma_start3A_134 = arith.constant 0 : i32
      %dma_start3A_135 = tpu.memref_slice %arg10[%dma_start3A_133, %dma_start3A_134] : memref<80x128xbf16, #tpu.memory_space<vmem>> -> memref<80x128xbf16, #tpu.memory_space<vmem>>
      tpu.enqueue_dma source(%dma_start3A_135 : memref<80x128xbf16, #tpu.memory_space<vmem>>) target(%dma_start3A_132 : memref<80x128xbf16, #tpu.memory_space<vmem_shared>>) target_semaphore(%run_scoped3A : memref<!tpu.dma_semaphore, #tpu.memory_space<semaphore_mem>>)
      %dma_wait3A_136 = arith.constant 0 : i32
      %dma_wait3A_137 = arith.constant 0 : i32
      %dma_wait3A_138 = tpu.memref_slice %arg10[%dma_wait3A_136, %dma_wait3A_137] : memref<80x128xbf16, #tpu.memory_space<vmem>> -> memref<80x128xbf16, #tpu.memory_space<vmem>>
      %dma_wait3A_139 = arith.constant 0 : i32
      %dma_wait3A_140 = tpu.memref_slice %arg15[%add3A_18, %dma_wait3A_139] : memref<10016x128xbf16, #tpu.memory_space<vmem_shared>> -> memref<80x128xbf16, #tpu.memory_space<vmem_shared>>
      %dma_wait3A_141 = arith.constant 0 : i32
      %dma_wait3A_142 = tpu.memref_slice %arg15[%add3A_18, %dma_wait3A_141] : memref<10016x128xbf16, #tpu.memory_space<vmem_shared>> -> memref<80x128xbf16, #tpu.memory_space<vmem_shared>>
      %dma_wait3A_143 = arith.constant 0 : i32
      %dma_wait3A_144 = arith.constant 0 : i32
      %dma_wait3A_145 = tpu.memref_slice %arg10[%dma_wait3A_143, %dma_wait3A_144] : memref<80x128xbf16, #tpu.memory_space<vmem>> -> memref<80x128xbf16, #tpu.memory_space<vmem>>
      tpu.wait_dma2 semaphore(%run_scoped3A : memref<!tpu.dma_semaphore, #tpu.memory_space<semaphore_mem>>) src(%dma_wait3A_145 : memref<80x128xbf16, #tpu.memory_space<vmem>>) dst(%dma_wait3A_142 : memref<80x128xbf16, #tpu.memory_space<vmem_shared>>)
      tpu.yield
    }) : () -> ()
    %add3A_19 = arith.constant 0 : i32
    %add3A_20 = arith.addi %mul3A_16, %add3A_19 : i32
    "tpu.region"() ({
      %run_scoped3A = tpu.sem_alloc : memref<!tpu.dma_semaphore, #tpu.memory_space<semaphore_mem>>
      %dma_start3A_126 = arith.constant 0 : i32
      %dma_start3A_127 = arith.constant 0 : i32
      %dma_start3A_128 = tpu.memref_slice %arg14[%dma_start3A_126, %dma_start3A_127] : memref<80x16xf32, #tpu.memory_space<vmem>> -> memref<80x8xf32, #tpu.memory_space<vmem>>
      %dma_start3A_129 = arith.constant 0 : i32
      %dma_start3A_130 = tpu.memref_slice %arg16[%add3A_20, %dma_start3A_129] : memref<10016x8xf32, #tpu.memory_space<vmem_shared>> -> memref<80x8xf32, #tpu.memory_space<vmem_shared>>
      %dma_start3A_131 = arith.constant 0 : i32
      %dma_start3A_132 = tpu.memref_slice %arg16[%add3A_20, %dma_start3A_131] : memref<10016x8xf32, #tpu.memory_space<vmem_shared>> -> memref<80x8xf32, #tpu.memory_space<vmem_shared>>
      %dma_start3A_133 = arith.constant 0 : i32
      %dma_start3A_134 = arith.constant 0 : i32
      %dma_start3A_135 = tpu.memref_slice %arg14[%dma_start3A_133, %dma_start3A_134] : memref<80x16xf32, #tpu.memory_space<vmem>> -> memref<80x8xf32, #tpu.memory_space<vmem>>
      tpu.enqueue_dma source(%dma_start3A_135 : memref<80x8xf32, #tpu.memory_space<vmem>>) target(%dma_start3A_132 : memref<80x8xf32, #tpu.memory_space<vmem_shared>>) target_semaphore(%run_scoped3A : memref<!tpu.dma_semaphore, #tpu.memory_space<semaphore_mem>>)
      %dma_wait3A_136 = arith.constant 0 : i32
      %dma_wait3A_137 = arith.constant 0 : i32
      %dma_wait3A_138 = tpu.memref_slice %arg14[%dma_wait3A_136, %dma_wait3A_137] : memref<80x16xf32, #tpu.memory_space<vmem>> -> memref<80x8xf32, #tpu.memory_space<vmem>>
      %dma_wait3A_139 = arith.constant 0 : i32
      %dma_wait3A_140 = tpu.memref_slice %arg16[%add3A_20, %dma_wait3A_139] : memref<10016x8xf32, #tpu.memory_space<vmem_shared>> -> memref<80x8xf32, #tpu.memory_space<vmem_shared>>
      %dma_wait3A_141 = arith.constant 0 : i32
      %dma_wait3A_142 = tpu.memref_slice %arg16[%add3A_20, %dma_wait3A_141] : memref<10016x8xf32, #tpu.memory_space<vmem_shared>> -> memref<80x8xf32, #tpu.memory_space<vmem_shared>>
      %dma_wait3A_143 = arith.constant 0 : i32
      %dma_wait3A_144 = arith.constant 0 : i32
      %dma_wait3A_145 = tpu.memref_slice %arg14[%dma_wait3A_143, %dma_wait3A_144] : memref<80x16xf32, #tpu.memory_space<vmem>> -> memref<80x8xf32, #tpu.memory_space<vmem>>
      tpu.wait_dma2 semaphore(%run_scoped3A : memref<!tpu.dma_semaphore, #tpu.memory_space<semaphore_mem>>) src(%dma_wait3A_145 : memref<80x8xf32, #tpu.memory_space<vmem>>) dst(%dma_wait3A_142 : memref<80x8xf32, #tpu.memory_space<vmem_shared>>)
      tpu.yield
    }) : () -> ()
    %add3A_21 = arith.constant 80 : i32
    %add3A_22 = arith.addi %mul3A_16, %add3A_21 : i32
    "tpu.region"() ({
      %run_scoped3A = tpu.sem_alloc : memref<!tpu.dma_semaphore, #tpu.memory_space<semaphore_mem>>
      %dma_start3A_126 = arith.constant 0 : i32
      %dma_start3A_127 = arith.constant 0 : i32
      %dma_start3A_128 = tpu.memref_slice %arg10[%dma_start3A_126, %dma_start3A_127] : memref<80x128xbf16, #tpu.memory_space<vmem>> -> memref<80x128xbf16, #tpu.memory_space<vmem>>
      %dma_start3A_129 = arith.constant 0 : i32
      %dma_start3A_130 = tpu.memref_slice %arg15[%add3A_22, %dma_start3A_129] : memref<10016x128xbf16, #tpu.memory_space<vmem_shared>> -> memref<80x128xbf16, #tpu.memory_space<vmem_shared>>
      %dma_start3A_131 = arith.constant 0 : i32
      %dma_start3A_132 = tpu.memref_slice %arg15[%add3A_22, %dma_start3A_131] : memref<10016x128xbf16, #tpu.memory_space<vmem_shared>> -> memref<80x128xbf16, #tpu.memory_space<vmem_shared>>
      %dma_start3A_133 = arith.constant 0 : i32
      %dma_start3A_134 = arith.constant 0 : i32
      %dma_start3A_135 = tpu.memref_slice %arg10[%dma_start3A_133, %dma_start3A_134] : memref<80x128xbf16, #tpu.memory_space<vmem>> -> memref<80x128xbf16, #tpu.memory_space<vmem>>
      tpu.enqueue_dma source(%dma_start3A_135 : memref<80x128xbf16, #tpu.memory_space<vmem>>) target(%dma_start3A_132 : memref<80x128xbf16, #tpu.memory_space<vmem_shared>>) target_semaphore(%run_scoped3A : memref<!tpu.dma_semaphore, #tpu.memory_space<semaphore_mem>>)
      %dma_wait3A_136 = arith.constant 0 : i32
      %dma_wait3A_137 = arith.constant 0 : i32
      %dma_wait3A_138 = tpu.memref_slice %arg10[%dma_wait3A_136, %dma_wait3A_137] : memref<80x128xbf16, #tpu.memory_space<vmem>> -> memref<80x128xbf16, #tpu.memory_space<vmem>>
      %dma_wait3A_139 = arith.constant 0 : i32
      %dma_wait3A_140 = tpu.memref_slice %arg15[%add3A_22, %dma_wait3A_139] : memref<10016x128xbf16, #tpu.memory_space<vmem_shared>> -> memref<80x128xbf16, #tpu.memory_space<vmem_shared>>
      %dma_wait3A_141 = arith.constant 0 : i32
      %dma_wait3A_142 = tpu.memref_slice %arg15[%add3A_22, %dma_wait3A_141] : memref<10016x128xbf16, #tpu.memory_space<vmem_shared>> -> memref<80x128xbf16, #tpu.memory_space<vmem_shared>>
      %dma_wait3A_143 = arith.constant 0 : i32
      %dma_wait3A_144 = arith.constant 0 : i32
      %dma_wait3A_145 = tpu.memref_slice %arg10[%dma_wait3A_143, %dma_wait3A_144] : memref<80x128xbf16, #tpu.memory_space<vmem>> -> memref<80x128xbf16, #tpu.memory_space<vmem>>
      tpu.wait_dma2 semaphore(%run_scoped3A : memref<!tpu.dma_semaphore, #tpu.memory_space<semaphore_mem>>) src(%dma_wait3A_145 : memref<80x128xbf16, #tpu.memory_space<vmem>>) dst(%dma_wait3A_142 : memref<80x128xbf16, #tpu.memory_space<vmem_shared>>)
      tpu.yield
    }) : () -> ()
    %add3A_23 = arith.constant 80 : i32
    %add3A_24 = arith.addi %mul3A_16, %add3A_23 : i32
    "tpu.region"() ({
      %run_scoped3A = tpu.sem_alloc : memref<!tpu.dma_semaphore, #tpu.memory_space<semaphore_mem>>
      %dma_start3A_126 = arith.constant 0 : i32
      %dma_start3A_127 = arith.constant 0 : i32
      %dma_start3A_128 = tpu.memref_slice %arg14[%dma_start3A_126, %dma_start3A_127] : memref<80x16xf32, #tpu.memory_space<vmem>> -> memref<80x8xf32, #tpu.memory_space<vmem>>
      %dma_start3A_129 = arith.constant 0 : i32
      %dma_start3A_130 = tpu.memref_slice %arg16[%add3A_24, %dma_start3A_129] : memref<10016x8xf32, #tpu.memory_space<vmem_shared>> -> memref<80x8xf32, #tpu.memory_space<vmem_shared>>
      %dma_start3A_131 = arith.constant 0 : i32
      %dma_start3A_132 = tpu.memref_slice %arg16[%add3A_24, %dma_start3A_131] : memref<10016x8xf32, #tpu.memory_space<vmem_shared>> -> memref<80x8xf32, #tpu.memory_space<vmem_shared>>
      %dma_start3A_133 = arith.constant 0 : i32
      %dma_start3A_134 = arith.constant 0 : i32
      %dma_start3A_135 = tpu.memref_slice %arg14[%dma_start3A_133, %dma_start3A_134] : memref<80x16xf32, #tpu.memory_space<vmem>> -> memref<80x8xf32, #tpu.memory_space<vmem>>
      tpu.enqueue_dma source(%dma_start3A_135 : memref<80x8xf32, #tpu.memory_space<vmem>>) target(%dma_start3A_132 : memref<80x8xf32, #tpu.memory_space<vmem_shared>>) target_semaphore(%run_scoped3A : memref<!tpu.dma_semaphore, #tpu.memory_space<semaphore_mem>>)
      %dma_wait3A_136 = arith.constant 0 : i32
      %dma_wait3A_137 = arith.constant 0 : i32
      %dma_wait3A_138 = tpu.memref_slice %arg14[%dma_wait3A_136, %dma_wait3A_137] : memref<80x16xf32, #tpu.memory_space<vmem>> -> memref<80x8xf32, #tpu.memory_space<vmem>>
      %dma_wait3A_139 = arith.constant 0 : i32
      %dma_wait3A_140 = tpu.memref_slice %arg16[%add3A_24, %dma_wait3A_139] : memref<10016x8xf32, #tpu.memory_space<vmem_shared>> -> memref<80x8xf32, #tpu.memory_space<vmem_shared>>
      %dma_wait3A_141 = arith.constant 0 : i32
      %dma_wait3A_142 = tpu.memref_slice %arg16[%add3A_24, %dma_wait3A_141] : memref<10016x8xf32, #tpu.memory_space<vmem_shared>> -> memref<80x8xf32, #tpu.memory_space<vmem_shared>>
      %dma_wait3A_143 = arith.constant 0 : i32
      %dma_wait3A_144 = arith.constant 0 : i32
      %dma_wait3A_145 = tpu.memref_slice %arg14[%dma_wait3A_143, %dma_wait3A_144] : memref<80x16xf32, #tpu.memory_space<vmem>> -> memref<80x8xf32, #tpu.memory_space<vmem>>
      tpu.wait_dma2 semaphore(%run_scoped3A : memref<!tpu.dma_semaphore, #tpu.memory_space<semaphore_mem>>) src(%dma_wait3A_145 : memref<80x8xf32, #tpu.memory_space<vmem>>) dst(%dma_wait3A_142 : memref<80x8xf32, #tpu.memory_space<vmem_shared>>)
      tpu.yield
    }) : () -> ()
    %add3A_25 = arith.constant 160 : i32
    %add3A_26 = arith.addi %mul3A_16, %add3A_25 : i32
    "tpu.region"() ({
      %run_scoped3A = tpu.sem_alloc : memref<!tpu.dma_semaphore, #tpu.memory_space<semaphore_mem>>
      %dma_start3A_126 = arith.constant 0 : i32
      %dma_start3A_127 = arith.constant 0 : i32
      %dma_start3A_128 = tpu.memref_slice %arg10[%dma_start3A_126, %dma_start3A_127] : memref<80x128xbf16, #tpu.memory_space<vmem>> -> memref<80x128xbf16, #tpu.memory_space<vmem>>
      %dma_start3A_129 = arith.constant 0 : i32
      %dma_start3A_130 = tpu.memref_slice %arg15[%add3A_26, %dma_start3A_129] : memref<10016x128xbf16, #tpu.memory_space<vmem_shared>> -> memref<80x128xbf16, #tpu.memory_space<vmem_shared>>
      %dma_start3A_131 = arith.constant 0 : i32
      %dma_start3A_132 = tpu.memref_slice %arg15[%add3A_26, %dma_start3A_131] : memref<10016x128xbf16, #tpu.memory_space<vmem_shared>> -> memref<80x128xbf16, #tpu.memory_space<vmem_shared>>
      %dma_start3A_133 = arith.constant 0 : i32
      %dma_start3A_134 = arith.constant 0 : i32
      %dma_start3A_135 = tpu.memref_slice %arg10[%dma_start3A_133, %dma_start3A_134] : memref<80x128xbf16, #tpu.memory_space<vmem>> -> memref<80x128xbf16, #tpu.memory_space<vmem>>
      tpu.enqueue_dma source(%dma_start3A_135 : memref<80x128xbf16, #tpu.memory_space<vmem>>) target(%dma_start3A_132 : memref<80x128xbf16, #tpu.memory_space<vmem_shared>>) target_semaphore(%run_scoped3A : memref<!tpu.dma_semaphore, #tpu.memory_space<semaphore_mem>>)
      %dma_wait3A_136 = arith.constant 0 : i32
      %dma_wait3A_137 = arith.constant 0 : i32
      %dma_wait3A_138 = tpu.memref_slice %arg10[%dma_wait3A_136, %dma_wait3A_137] : memref<80x128xbf16, #tpu.memory_space<vmem>> -> memref<80x128xbf16, #tpu.memory_space<vmem>>
      %dma_wait3A_139 = arith.constant 0 : i32
      %dma_wait3A_140 = tpu.memref_slice %arg15[%add3A_26, %dma_wait3A_139] : memref<10016x128xbf16, #tpu.memory_space<vmem_shared>> -> memref<80x128xbf16, #tpu.memory_space<vmem_shared>>
      %dma_wait3A_141 = arith.constant 0 : i32
      %dma_wait3A_142 = tpu.memref_slice %arg15[%add3A_26, %dma_wait3A_141] : memref<10016x128xbf16, #tpu.memory_space<vmem_shared>> -> memref<80x128xbf16, #tpu.memory_space<vmem_shared>>
      %dma_wait3A_143 = arith.constant 0 : i32
      %dma_wait3A_144 = arith.constant 0 : i32
      %dma_wait3A_145 = tpu.memref_slice %arg10[%dma_wait3A_143, %dma_wait3A_144] : memref<80x128xbf16, #tpu.memory_space<vmem>> -> memref<80x128xbf16, #tpu.memory_space<vmem>>
      tpu.wait_dma2 semaphore(%run_scoped3A : memref<!tpu.dma_semaphore, #tpu.memory_space<semaphore_mem>>) src(%dma_wait3A_145 : memref<80x128xbf16, #tpu.memory_space<vmem>>) dst(%dma_wait3A_142 : memref<80x128xbf16, #tpu.memory_space<vmem_shared>>)
      tpu.yield
    }) : () -> ()
    %add3A_27 = arith.constant 160 : i32
    %add3A_28 = arith.addi %mul3A_16, %add3A_27 : i32
    "tpu.region"() ({
      %run_scoped3A = tpu.sem_alloc : memref<!tpu.dma_semaphore, #tpu.memory_space<semaphore_mem>>
      %dma_start3A_126 = arith.constant 0 : i32
      %dma_start3A_127 = arith.constant 0 : i32
      %dma_start3A_128 = tpu.memref_slice %arg14[%dma_start3A_126, %dma_start3A_127] : memref<80x16xf32, #tpu.memory_space<vmem>> -> memref<80x8xf32, #tpu.memory_space<vmem>>
      %dma_start3A_129 = arith.constant 0 : i32
      %dma_start3A_130 = tpu.memref_slice %arg16[%add3A_28, %dma_start3A_129] : memref<10016x8xf32, #tpu.memory_space<vmem_shared>> -> memref<80x8xf32, #tpu.memory_space<vmem_shared>>
      %dma_start3A_131 = arith.constant 0 : i32
      %dma_start3A_132 = tpu.memref_slice %arg16[%add3A_28, %dma_start3A_131] : memref<10016x8xf32, #tpu.memory_space<vmem_shared>> -> memref<80x8xf32, #tpu.memory_space<vmem_shared>>
      %dma_start3A_133 = arith.constant 0 : i32
      %dma_start3A_134 = arith.constant 0 : i32
      %dma_start3A_135 = tpu.memref_slice %arg14[%dma_start3A_133, %dma_start3A_134] : memref<80x16xf32, #tpu.memory_space<vmem>> -> memref<80x8xf32, #tpu.memory_space<vmem>>
      tpu.enqueue_dma source(%dma_start3A_135 : memref<80x8xf32, #tpu.memory_space<vmem>>) target(%dma_start3A_132 : memref<80x8xf32, #tpu.memory_space<vmem_shared>>) target_semaphore(%run_scoped3A : memref<!tpu.dma_semaphore, #tpu.memory_space<semaphore_mem>>)
      %dma_wait3A_136 = arith.constant 0 : i32
      %dma_wait3A_137 = arith.constant 0 : i32
      %dma_wait3A_138 = tpu.memref_slice %arg14[%dma_wait3A_136, %dma_wait3A_137] : memref<80x16xf32, #tpu.memory_space<vmem>> -> memref<80x8xf32, #tpu.memory_space<vmem>>
      %dma_wait3A_139 = arith.constant 0 : i32
      %dma_wait3A_140 = tpu.memref_slice %arg16[%add3A_28, %dma_wait3A_139] : memref<10016x8xf32, #tpu.memory_space<vmem_shared>> -> memref<80x8xf32, #tpu.memory_space<vmem_shared>>
      %dma_wait3A_141 = arith.constant 0 : i32
      %dma_wait3A_142 = tpu.memref_slice %arg16[%add3A_28, %dma_wait3A_141] : memref<10016x8xf32, #tpu.memory_space<vmem_shared>> -> memref<80x8xf32, #tpu.memory_space<vmem_shared>>
      %dma_wait3A_143 = arith.constant 0 : i32
      %dma_wait3A_144 = arith.constant 0 : i32
      %dma_wait3A_145 = tpu.memref_slice %arg14[%dma_wait3A_143, %dma_wait3A_144] : memref<80x16xf32, #tpu.memory_space<vmem>> -> memref<80x8xf32, #tpu.memory_space<vmem>>
      tpu.wait_dma2 semaphore(%run_scoped3A : memref<!tpu.dma_semaphore, #tpu.memory_space<semaphore_mem>>) src(%dma_wait3A_145 : memref<80x8xf32, #tpu.memory_space<vmem>>) dst(%dma_wait3A_142 : memref<80x8xf32, #tpu.memory_space<vmem_shared>>)
      tpu.yield
    }) : () -> ()
    %add3A_29 = arith.constant 240 : i32
    %add3A_30 = arith.addi %mul3A_16, %add3A_29 : i32
    "tpu.region"() ({
      %run_scoped3A = tpu.sem_alloc : memref<!tpu.dma_semaphore, #tpu.memory_space<semaphore_mem>>
      %dma_start3A_126 = arith.constant 0 : i32
      %dma_start3A_127 = arith.constant 0 : i32
      %dma_start3A_128 = tpu.memref_slice %arg10[%dma_start3A_126, %dma_start3A_127] : memref<80x128xbf16, #tpu.memory_space<vmem>> -> memref<80x128xbf16, #tpu.memory_space<vmem>>
      %dma_start3A_129 = arith.constant 0 : i32
      %dma_start3A_130 = tpu.memref_slice %arg15[%add3A_30, %dma_start3A_129] : memref<10016x128xbf16, #tpu.memory_space<vmem_shared>> -> memref<80x128xbf16, #tpu.memory_space<vmem_shared>>
      %dma_start3A_131 = arith.constant 0 : i32
      %dma_start3A_132 = tpu.memref_slice %arg15[%add3A_30, %dma_start3A_131] : memref<10016x128xbf16, #tpu.memory_space<vmem_shared>> -> memref<80x128xbf16, #tpu.memory_space<vmem_shared>>
      %dma_start3A_133 = arith.constant 0 : i32
      %dma_start3A_134 = arith.constant 0 : i32
      %dma_start3A_135 = tpu.memref_slice %arg10[%dma_start3A_133, %dma_start3A_134] : memref<80x128xbf16, #tpu.memory_space<vmem>> -> memref<80x128xbf16, #tpu.memory_space<vmem>>
      tpu.enqueue_dma source(%dma_start3A_135 : memref<80x128xbf16, #tpu.memory_space<vmem>>) target(%dma_start3A_132 : memref<80x128xbf16, #tpu.memory_space<vmem_shared>>) target_semaphore(%run_scoped3A : memref<!tpu.dma_semaphore, #tpu.memory_space<semaphore_mem>>)
      %dma_wait3A_136 = arith.constant 0 : i32
      %dma_wait3A_137 = arith.constant 0 : i32
      %dma_wait3A_138 = tpu.memref_slice %arg10[%dma_wait3A_136, %dma_wait3A_137] : memref<80x128xbf16, #tpu.memory_space<vmem>> -> memref<80x128xbf16, #tpu.memory_space<vmem>>
      %dma_wait3A_139 = arith.constant 0 : i32
      %dma_wait3A_140 = tpu.memref_slice %arg15[%add3A_30, %dma_wait3A_139] : memref<10016x128xbf16, #tpu.memory_space<vmem_shared>> -> memref<80x128xbf16, #tpu.memory_space<vmem_shared>>
      %dma_wait3A_141 = arith.constant 0 : i32
      %dma_wait3A_142 = tpu.memref_slice %arg15[%add3A_30, %dma_wait3A_141] : memref<10016x128xbf16, #tpu.memory_space<vmem_shared>> -> memref<80x128xbf16, #tpu.memory_space<vmem_shared>>
      %dma_wait3A_143 = arith.constant 0 : i32
      %dma_wait3A_144 = arith.constant 0 : i32
      %dma_wait3A_145 = tpu.memref_slice %arg10[%dma_wait3A_143, %dma_wait3A_144] : memref<80x128xbf16, #tpu.memory_space<vmem>> -> memref<80x128xbf16, #tpu.memory_space<vmem>>
      tpu.wait_dma2 semaphore(%run_scoped3A : memref<!tpu.dma_semaphore, #tpu.memory_space<semaphore_mem>>) src(%dma_wait3A_145 : memref<80x128xbf16, #tpu.memory_space<vmem>>) dst(%dma_wait3A_142 : memref<80x128xbf16, #tpu.memory_space<vmem_shared>>)
      tpu.yield
    }) : () -> ()
    %add3A_31 = arith.constant 240 : i32
    %add3A_32 = arith.addi %mul3A_16, %add3A_31 : i32
    "tpu.region"() ({
      %run_scoped3A = tpu.sem_alloc : memref<!tpu.dma_semaphore, #tpu.memory_space<semaphore_mem>>
      %dma_start3A_126 = arith.constant 0 : i32
      %dma_start3A_127 = arith.constant 0 : i32
      %dma_start3A_128 = tpu.memref_slice %arg14[%dma_start3A_126, %dma_start3A_127] : memref<80x16xf32, #tpu.memory_space<vmem>> -> memref<80x8xf32, #tpu.memory_space<vmem>>
      %dma_start3A_129 = arith.constant 0 : i32
      %dma_start3A_130 = tpu.memref_slice %arg16[%add3A_32, %dma_start3A_129] : memref<10016x8xf32, #tpu.memory_space<vmem_shared>> -> memref<80x8xf32, #tpu.memory_space<vmem_shared>>
      %dma_start3A_131 = arith.constant 0 : i32
      %dma_start3A_132 = tpu.memref_slice %arg16[%add3A_32, %dma_start3A_131] : memref<10016x8xf32, #tpu.memory_space<vmem_shared>> -> memref<80x8xf32, #tpu.memory_space<vmem_shared>>
      %dma_start3A_133 = arith.constant 0 : i32
      %dma_start3A_134 = arith.constant 0 : i32
      %dma_start3A_135 = tpu.memref_slice %arg14[%dma_start3A_133, %dma_start3A_134] : memref<80x16xf32, #tpu.memory_space<vmem>> -> memref<80x8xf32, #tpu.memory_space<vmem>>
      tpu.enqueue_dma source(%dma_start3A_135 : memref<80x8xf32, #tpu.memory_space<vmem>>) target(%dma_start3A_132 : memref<80x8xf32, #tpu.memory_space<vmem_shared>>) target_semaphore(%run_scoped3A : memref<!tpu.dma_semaphore, #tpu.memory_space<semaphore_mem>>)
      %dma_wait3A_136 = arith.constant 0 : i32
      %dma_wait3A_137 = arith.constant 0 : i32
      %dma_wait3A_138 = tpu.memref_slice %arg14[%dma_wait3A_136, %dma_wait3A_137] : memref<80x16xf32, #tpu.memory_space<vmem>> -> memref<80x8xf32, #tpu.memory_space<vmem>>
      %dma_wait3A_139 = arith.constant 0 : i32
      %dma_wait3A_140 = tpu.memref_slice %arg16[%add3A_32, %dma_wait3A_139] : memref<10016x8xf32, #tpu.memory_space<vmem_shared>> -> memref<80x8xf32, #tpu.memory_space<vmem_shared>>
      %dma_wait3A_141 = arith.constant 0 : i32
      %dma_wait3A_142 = tpu.memref_slice %arg16[%add3A_32, %dma_wait3A_141] : memref<10016x8xf32, #tpu.memory_space<vmem_shared>> -> memref<80x8xf32, #tpu.memory_space<vmem_shared>>
      %dma_wait3A_143 = arith.constant 0 : i32
      %dma_wait3A_144 = arith.constant 0 : i32
      %dma_wait3A_145 = tpu.memref_slice %arg14[%dma_wait3A_143, %dma_wait3A_144] : memref<80x16xf32, #tpu.memory_space<vmem>> -> memref<80x8xf32, #tpu.memory_space<vmem>>
      tpu.wait_dma2 semaphore(%run_scoped3A : memref<!tpu.dma_semaphore, #tpu.memory_space<semaphore_mem>>) src(%dma_wait3A_145 : memref<80x8xf32, #tpu.memory_space<vmem>>) dst(%dma_wait3A_142 : memref<80x8xf32, #tpu.memory_space<vmem_shared>>)
      tpu.yield
    }) : () -> ()
    %add3A_33 = arith.constant 320 : i32
    %add3A_34 = arith.addi %mul3A_16, %add3A_33 : i32
    "tpu.region"() ({
      %run_scoped3A = tpu.sem_alloc : memref<!tpu.dma_semaphore, #tpu.memory_space<semaphore_mem>>
      %dma_start3A_126 = arith.constant 0 : i32
      %dma_start3A_127 = arith.constant 0 : i32
      %dma_start3A_128 = tpu.memref_slice %arg10[%dma_start3A_126, %dma_start3A_127] : memref<80x128xbf16, #tpu.memory_space<vmem>> -> memref<80x128xbf16, #tpu.memory_space<vmem>>
      %dma_start3A_129 = arith.constant 0 : i32
      %dma_start3A_130 = tpu.memref_slice %arg15[%add3A_34, %dma_start3A_129] : memref<10016x128xbf16, #tpu.memory_space<vmem_shared>> -> memref<80x128xbf16, #tpu.memory_space<vmem_shared>>
      %dma_start3A_131 = arith.constant 0 : i32
      %dma_start3A_132 = tpu.memref_slice %arg15[%add3A_34, %dma_start3A_131] : memref<10016x128xbf16, #tpu.memory_space<vmem_shared>> -> memref<80x128xbf16, #tpu.memory_space<vmem_shared>>
      %dma_start3A_133 = arith.constant 0 : i32
      %dma_start3A_134 = arith.constant 0 : i32
      %dma_start3A_135 = tpu.memref_slice %arg10[%dma_start3A_133, %dma_start3A_134] : memref<80x128xbf16, #tpu.memory_space<vmem>> -> memref<80x128xbf16, #tpu.memory_space<vmem>>
      tpu.enqueue_dma source(%dma_start3A_135 : memref<80x128xbf16, #tpu.memory_space<vmem>>) target(%dma_start3A_132 : memref<80x128xbf16, #tpu.memory_space<vmem_shared>>) target_semaphore(%run_scoped3A : memref<!tpu.dma_semaphore, #tpu.memory_space<semaphore_mem>>)
      %dma_wait3A_136 = arith.constant 0 : i32
      %dma_wait3A_137 = arith.constant 0 : i32
      %dma_wait3A_138 = tpu.memref_slice %arg10[%dma_wait3A_136, %dma_wait3A_137] : memref<80x128xbf16, #tpu.memory_space<vmem>> -> memref<80x128xbf16, #tpu.memory_space<vmem>>
      %dma_wait3A_139 = arith.constant 0 : i32
      %dma_wait3A_140 = tpu.memref_slice %arg15[%add3A_34, %dma_wait3A_139] : memref<10016x128xbf16, #tpu.memory_space<vmem_shared>> -> memref<80x128xbf16, #tpu.memory_space<vmem_shared>>
      %dma_wait3A_141 = arith.constant 0 : i32
      %dma_wait3A_142 = tpu.memref_slice %arg15[%add3A_34, %dma_wait3A_141] : memref<10016x128xbf16, #tpu.memory_space<vmem_shared>> -> memref<80x128xbf16, #tpu.memory_space<vmem_shared>>
      %dma_wait3A_143 = arith.constant 0 : i32
      %dma_wait3A_144 = arith.constant 0 : i32
      %dma_wait3A_145 = tpu.memref_slice %arg10[%dma_wait3A_143, %dma_wait3A_144] : memref<80x128xbf16, #tpu.memory_space<vmem>> -> memref<80x128xbf16, #tpu.memory_space<vmem>>
      tpu.wait_dma2 semaphore(%run_scoped3A : memref<!tpu.dma_semaphore, #tpu.memory_space<semaphore_mem>>) src(%dma_wait3A_145 : memref<80x128xbf16, #tpu.memory_space<vmem>>) dst(%dma_wait3A_142 : memref<80x128xbf16, #tpu.memory_space<vmem_shared>>)
      tpu.yield
    }) : () -> ()
    %add3A_35 = arith.constant 320 : i32
    %add3A_36 = arith.addi %mul3A_16, %add3A_35 : i32
    "tpu.region"() ({
      %run_scoped3A = tpu.sem_alloc : memref<!tpu.dma_semaphore, #tpu.memory_space<semaphore_mem>>
      %dma_start3A_126 = arith.constant 0 : i32
      %dma_start3A_127 = arith.constant 0 : i32
      %dma_start3A_128 = tpu.memref_slice %arg14[%dma_start3A_126, %dma_start3A_127] : memref<80x16xf32, #tpu.memory_space<vmem>> -> memref<80x8xf32, #tpu.memory_space<vmem>>
      %dma_start3A_129 = arith.constant 0 : i32
      %dma_start3A_130 = tpu.memref_slice %arg16[%add3A_36, %dma_start3A_129] : memref<10016x8xf32, #tpu.memory_space<vmem_shared>> -> memref<80x8xf32, #tpu.memory_space<vmem_shared>>
      %dma_start3A_131 = arith.constant 0 : i32
      %dma_start3A_132 = tpu.memref_slice %arg16[%add3A_36, %dma_start3A_131] : memref<10016x8xf32, #tpu.memory_space<vmem_shared>> -> memref<80x8xf32, #tpu.memory_space<vmem_shared>>
      %dma_start3A_133 = arith.constant 0 : i32
      %dma_start3A_134 = arith.constant 0 : i32
      %dma_start3A_135 = tpu.memref_slice %arg14[%dma_start3A_133, %dma_start3A_134] : memref<80x16xf32, #tpu.memory_space<vmem>> -> memref<80x8xf32, #tpu.memory_space<vmem>>
      tpu.enqueue_dma source(%dma_start3A_135 : memref<80x8xf32, #tpu.memory_space<vmem>>) target(%dma_start3A_132 : memref<80x8xf32, #tpu.memory_space<vmem_shared>>) target_semaphore(%run_scoped3A : memref<!tpu.dma_semaphore, #tpu.memory_space<semaphore_mem>>)
      %dma_wait3A_136 = arith.constant 0 : i32
      %dma_wait3A_137 = arith.constant 0 : i32
      %dma_wait3A_138 = tpu.memref_slice %arg14[%dma_wait3A_136, %dma_wait3A_137] : memref<80x16xf32, #tpu.memory_space<vmem>> -> memref<80x8xf32, #tpu.memory_space<vmem>>
      %dma_wait3A_139 = arith.constant 0 : i32
      %dma_wait3A_140 = tpu.memref_slice %arg16[%add3A_36, %dma_wait3A_139] : memref<10016x8xf32, #tpu.memory_space<vmem_shared>> -> memref<80x8xf32, #tpu.memory_space<vmem_shared>>
      %dma_wait3A_141 = arith.constant 0 : i32
      %dma_wait3A_142 = tpu.memref_slice %arg16[%add3A_36, %dma_wait3A_141] : memref<10016x8xf32, #tpu.memory_space<vmem_shared>> -> memref<80x8xf32, #tpu.memory_space<vmem_shared>>
      %dma_wait3A_143 = arith.constant 0 : i32
      %dma_wait3A_144 = arith.constant 0 : i32
      %dma_wait3A_145 = tpu.memref_slice %arg14[%dma_wait3A_143, %dma_wait3A_144] : memref<80x16xf32, #tpu.memory_space<vmem>> -> memref<80x8xf32, #tpu.memory_space<vmem>>
      tpu.wait_dma2 semaphore(%run_scoped3A : memref<!tpu.dma_semaphore, #tpu.memory_space<semaphore_mem>>) src(%dma_wait3A_145 : memref<80x8xf32, #tpu.memory_space<vmem>>) dst(%dma_wait3A_142 : memref<80x8xf32, #tpu.memory_space<vmem_shared>>)
      tpu.yield
    }) : () -> ()
    %add3A_37 = arith.constant 400 : i32
    %add3A_38 = arith.addi %mul3A_16, %add3A_37 : i32
    "tpu.region"() ({
      %run_scoped3A = tpu.sem_alloc : memref<!tpu.dma_semaphore, #tpu.memory_space<semaphore_mem>>
      %dma_start3A_126 = arith.constant 0 : i32
      %dma_start3A_127 = arith.constant 0 : i32
      %dma_start3A_128 = tpu.memref_slice %arg10[%dma_start3A_126, %dma_start3A_127] : memref<80x128xbf16, #tpu.memory_space<vmem>> -> memref<80x128xbf16, #tpu.memory_space<vmem>>
      %dma_start3A_129 = arith.constant 0 : i32
      %dma_start3A_130 = tpu.memref_slice %arg15[%add3A_38, %dma_start3A_129] : memref<10016x128xbf16, #tpu.memory_space<vmem_shared>> -> memref<80x128xbf16, #tpu.memory_space<vmem_shared>>
      %dma_start3A_131 = arith.constant 0 : i32
      %dma_start3A_132 = tpu.memref_slice %arg15[%add3A_38, %dma_start3A_131] : memref<10016x128xbf16, #tpu.memory_space<vmem_shared>> -> memref<80x128xbf16, #tpu.memory_space<vmem_shared>>
      %dma_start3A_133 = arith.constant 0 : i32
      %dma_start3A_134 = arith.constant 0 : i32
      %dma_start3A_135 = tpu.memref_slice %arg10[%dma_start3A_133, %dma_start3A_134] : memref<80x128xbf16, #tpu.memory_space<vmem>> -> memref<80x128xbf16, #tpu.memory_space<vmem>>
      tpu.enqueue_dma source(%dma_start3A_135 : memref<80x128xbf16, #tpu.memory_space<vmem>>) target(%dma_start3A_132 : memref<80x128xbf16, #tpu.memory_space<vmem_shared>>) target_semaphore(%run_scoped3A : memref<!tpu.dma_semaphore, #tpu.memory_space<semaphore_mem>>)
      %dma_wait3A_136 = arith.constant 0 : i32
      %dma_wait3A_137 = arith.constant 0 : i32
      %dma_wait3A_138 = tpu.memref_slice %arg10[%dma_wait3A_136, %dma_wait3A_137] : memref<80x128xbf16, #tpu.memory_space<vmem>> -> memref<80x128xbf16, #tpu.memory_space<vmem>>
      %dma_wait3A_139 = arith.constant 0 : i32
      %dma_wait3A_140 = tpu.memref_slice %arg15[%add3A_38, %dma_wait3A_139] : memref<10016x128xbf16, #tpu.memory_space<vmem_shared>> -> memref<80x128xbf16, #tpu.memory_space<vmem_shared>>
      %dma_wait3A_141 = arith.constant 0 : i32
      %dma_wait3A_142 = tpu.memref_slice %arg15[%add3A_38, %dma_wait3A_141] : memref<10016x128xbf16, #tpu.memory_space<vmem_shared>> -> memref<80x128xbf16, #tpu.memory_space<vmem_shared>>
      %dma_wait3A_143 = arith.constant 0 : i32
      %dma_wait3A_144 = arith.constant 0 : i32
      %dma_wait3A_145 = tpu.memref_slice %arg10[%dma_wait3A_143, %dma_wait3A_144] : memref<80x128xbf16, #tpu.memory_space<vmem>> -> memref<80x128xbf16, #tpu.memory_space<vmem>>
      tpu.wait_dma2 semaphore(%run_scoped3A : memref<!tpu.dma_semaphore, #tpu.memory_space<semaphore_mem>>) src(%dma_wait3A_145 : memref<80x128xbf16, #tpu.memory_space<vmem>>) dst(%dma_wait3A_142 : memref<80x128xbf16, #tpu.memory_space<vmem_shared>>)
      tpu.yield
    }) : () -> ()
    %add3A_39 = arith.constant 400 : i32
    %add3A_40 = arith.addi %mul3A_16, %add3A_39 : i32
    "tpu.region"() ({
      %run_scoped3A = tpu.sem_alloc : memref<!tpu.dma_semaphore, #tpu.memory_space<semaphore_mem>>
      %dma_start3A_126 = arith.constant 0 : i32
      %dma_start3A_127 = arith.constant 0 : i32
      %dma_start3A_128 = tpu.memref_slice %arg14[%dma_start3A_126, %dma_start3A_127] : memref<80x16xf32, #tpu.memory_space<vmem>> -> memref<80x8xf32, #tpu.memory_space<vmem>>
      %dma_start3A_129 = arith.constant 0 : i32
      %dma_start3A_130 = tpu.memref_slice %arg16[%add3A_40, %dma_start3A_129] : memref<10016x8xf32, #tpu.memory_space<vmem_shared>> -> memref<80x8xf32, #tpu.memory_space<vmem_shared>>
      %dma_start3A_131 = arith.constant 0 : i32
      %dma_start3A_132 = tpu.memref_slice %arg16[%add3A_40, %dma_start3A_131] : memref<10016x8xf32, #tpu.memory_space<vmem_shared>> -> memref<80x8xf32, #tpu.memory_space<vmem_shared>>
      %dma_start3A_133 = arith.constant 0 : i32
      %dma_start3A_134 = arith.constant 0 : i32
      %dma_start3A_135 = tpu.memref_slice %arg14[%dma_start3A_133, %dma_start3A_134] : memref<80x16xf32, #tpu.memory_space<vmem>> -> memref<80x8xf32, #tpu.memory_space<vmem>>
      tpu.enqueue_dma source(%dma_start3A_135 : memref<80x8xf32, #tpu.memory_space<vmem>>) target(%dma_start3A_132 : memref<80x8xf32, #tpu.memory_space<vmem_shared>>) target_semaphore(%run_scoped3A : memref<!tpu.dma_semaphore, #tpu.memory_space<semaphore_mem>>)
      %dma_wait3A_136 = arith.constant 0 : i32
      %dma_wait3A_137 = arith.constant 0 : i32
      %dma_wait3A_138 = tpu.memref_slice %arg14[%dma_wait3A_136, %dma_wait3A_137] : memref<80x16xf32, #tpu.memory_space<vmem>> -> memref<80x8xf32, #tpu.memory_space<vmem>>
      %dma_wait3A_139 = arith.constant 0 : i32
      %dma_wait3A_140 = tpu.memref_slice %arg16[%add3A_40, %dma_wait3A_139] : memref<10016x8xf32, #tpu.memory_space<vmem_shared>> -> memref<80x8xf32, #tpu.memory_space<vmem_shared>>
      %dma_wait3A_141 = arith.constant 0 : i32
      %dma_wait3A_142 = tpu.memref_slice %arg16[%add3A_40, %dma_wait3A_141] : memref<10016x8xf32, #tpu.memory_space<vmem_shared>> -> memref<80x8xf32, #tpu.memory_space<vmem_shared>>
      %dma_wait3A_143 = arith.constant 0 : i32
      %dma_wait3A_144 = arith.constant 0 : i32
      %dma_wait3A_145 = tpu.memref_slice %arg14[%dma_wait3A_143, %dma_wait3A_144] : memref<80x16xf32, #tpu.memory_space<vmem>> -> memref<80x8xf32, #tpu.memory_space<vmem>>
      tpu.wait_dma2 semaphore(%run_scoped3A : memref<!tpu.dma_semaphore, #tpu.memory_space<semaphore_mem>>) src(%dma_wait3A_145 : memref<80x8xf32, #tpu.memory_space<vmem>>) dst(%dma_wait3A_142 : memref<80x8xf32, #tpu.memory_space<vmem_shared>>)
      tpu.yield
    }) : () -> ()
    %add3A_41 = arith.constant 480 : i32
    %add3A_42 = arith.addi %mul3A_16, %add3A_41 : i32
    "tpu.region"() ({
      %run_scoped3A = tpu.sem_alloc : memref<!tpu.dma_semaphore, #tpu.memory_space<semaphore_mem>>
      %dma_start3A_126 = arith.constant 0 : i32
      %dma_start3A_127 = arith.constant 0 : i32
      %dma_start3A_128 = tpu.memref_slice %arg10[%dma_start3A_126, %dma_start3A_127] : memref<80x128xbf16, #tpu.memory_space<vmem>> -> memref<80x128xbf16, #tpu.memory_space<vmem>>
      %dma_start3A_129 = arith.constant 0 : i32
      %dma_start3A_130 = tpu.memref_slice %arg15[%add3A_42, %dma_start3A_129] : memref<10016x128xbf16, #tpu.memory_space<vmem_shared>> -> memref<80x128xbf16, #tpu.memory_space<vmem_shared>>
      %dma_start3A_131 = arith.constant 0 : i32
      %dma_start3A_132 = tpu.memref_slice %arg15[%add3A_42, %dma_start3A_131] : memref<10016x128xbf16, #tpu.memory_space<vmem_shared>> -> memref<80x128xbf16, #tpu.memory_space<vmem_shared>>
      %dma_start3A_133 = arith.constant 0 : i32
      %dma_start3A_134 = arith.constant 0 : i32
      %dma_start3A_135 = tpu.memref_slice %arg10[%dma_start3A_133, %dma_start3A_134] : memref<80x128xbf16, #tpu.memory_space<vmem>> -> memref<80x128xbf16, #tpu.memory_space<vmem>>
      tpu.enqueue_dma source(%dma_start3A_135 : memref<80x128xbf16, #tpu.memory_space<vmem>>) target(%dma_start3A_132 : memref<80x128xbf16, #tpu.memory_space<vmem_shared>>) target_semaphore(%run_scoped3A : memref<!tpu.dma_semaphore, #tpu.memory_space<semaphore_mem>>)
      %dma_wait3A_136 = arith.constant 0 : i32
      %dma_wait3A_137 = arith.constant 0 : i32
      %dma_wait3A_138 = tpu.memref_slice %arg10[%dma_wait3A_136, %dma_wait3A_137] : memref<80x128xbf16, #tpu.memory_space<vmem>> -> memref<80x128xbf16, #tpu.memory_space<vmem>>
      %dma_wait3A_139 = arith.constant 0 : i32
      %dma_wait3A_140 = tpu.memref_slice %arg15[%add3A_42, %dma_wait3A_139] : memref<10016x128xbf16, #tpu.memory_space<vmem_shared>> -> memref<80x128xbf16, #tpu.memory_space<vmem_shared>>
      %dma_wait3A_141 = arith.constant 0 : i32
      %dma_wait3A_142 = tpu.memref_slice %arg15[%add3A_42, %dma_wait3A_141] : memref<10016x128xbf16, #tpu.memory_space<vmem_shared>> -> memref<80x128xbf16, #tpu.memory_space<vmem_shared>>
      %dma_wait3A_143 = arith.constant 0 : i32
      %dma_wait3A_144 = arith.constant 0 : i32
      %dma_wait3A_145 = tpu.memref_slice %arg10[%dma_wait3A_143, %dma_wait3A_144] : memref<80x128xbf16, #tpu.memory_space<vmem>> -> memref<80x128xbf16, #tpu.memory_space<vmem>>
      tpu.wait_dma2 semaphore(%run_scoped3A : memref<!tpu.dma_semaphore, #tpu.memory_space<semaphore_mem>>) src(%dma_wait3A_145 : memref<80x128xbf16, #tpu.memory_space<vmem>>) dst(%dma_wait3A_142 : memref<80x128xbf16, #tpu.memory_space<vmem_shared>>)
      tpu.yield
    }) : () -> ()
    %add3A_43 = arith.constant 480 : i32
    %add3A_44 = arith.addi %mul3A_16, %add3A_43 : i32
    "tpu.region"() ({
      %run_scoped3A = tpu.sem_alloc : memref<!tpu.dma_semaphore, #tpu.memory_space<semaphore_mem>>
      %dma_start3A_126 = arith.constant 0 : i32
      %dma_start3A_127 = arith.constant 0 : i32
      %dma_start3A_128 = tpu.memref_slice %arg14[%dma_start3A_126, %dma_start3A_127] : memref<80x16xf32, #tpu.memory_space<vmem>> -> memref<80x8xf32, #tpu.memory_space<vmem>>
      %dma_start3A_129 = arith.constant 0 : i32
      %dma_start3A_130 = tpu.memref_slice %arg16[%add3A_44, %dma_start3A_129] : memref<10016x8xf32, #tpu.memory_space<vmem_shared>> -> memref<80x8xf32, #tpu.memory_space<vmem_shared>>
      %dma_start3A_131 = arith.constant 0 : i32
      %dma_start3A_132 = tpu.memref_slice %arg16[%add3A_44, %dma_start3A_131] : memref<10016x8xf32, #tpu.memory_space<vmem_shared>> -> memref<80x8xf32, #tpu.memory_space<vmem_shared>>
      %dma_start3A_133 = arith.constant 0 : i32
      %dma_start3A_134 = arith.constant 0 : i32
      %dma_start3A_135 = tpu.memref_slice %arg14[%dma_start3A_133, %dma_start3A_134] : memref<80x16xf32, #tpu.memory_space<vmem>> -> memref<80x8xf32, #tpu.memory_space<vmem>>
      tpu.enqueue_dma source(%dma_start3A_135 : memref<80x8xf32, #tpu.memory_space<vmem>>) target(%dma_start3A_132 : memref<80x8xf32, #tpu.memory_space<vmem_shared>>) target_semaphore(%run_scoped3A : memref<!tpu.dma_semaphore, #tpu.memory_space<semaphore_mem>>)
      %dma_wait3A_136 = arith.constant 0 : i32
      %dma_wait3A_137 = arith.constant 0 : i32
      %dma_wait3A_138 = tpu.memref_slice %arg14[%dma_wait3A_136, %dma_wait3A_137] : memref<80x16xf32, #tpu.memory_space<vmem>> -> memref<80x8xf32, #tpu.memory_space<vmem>>
      %dma_wait3A_139 = arith.constant 0 : i32
      %dma_wait3A_140 = tpu.memref_slice %arg16[%add3A_44, %dma_wait3A_139] : memref<10016x8xf32, #tpu.memory_space<vmem_shared>> -> memref<80x8xf32, #tpu.memory_space<vmem_shared>>
      %dma_wait3A_141 = arith.constant 0 : i32
      %dma_wait3A_142 = tpu.memref_slice %arg16[%add3A_44, %dma_wait3A_141] : memref<10016x8xf32, #tpu.memory_space<vmem_shared>> -> memref<80x8xf32, #tpu.memory_space<vmem_shared>>
      %dma_wait3A_143 = arith.constant 0 : i32
      %dma_wait3A_144 = arith.constant 0 : i32
      %dma_wait3A_145 = tpu.memref_slice %arg14[%dma_wait3A_143, %dma_wait3A_144] : memref<80x16xf32, #tpu.memory_space<vmem>> -> memref<80x8xf32, #tpu.memory_space<vmem>>
      tpu.wait_dma2 semaphore(%run_scoped3A : memref<!tpu.dma_semaphore, #tpu.memory_space<semaphore_mem>>) src(%dma_wait3A_145 : memref<80x8xf32, #tpu.memory_space<vmem>>) dst(%dma_wait3A_142 : memref<80x8xf32, #tpu.memory_space<vmem_shared>>)
      tpu.yield
    }) : () -> ()
    %add3A_45 = arith.constant 560 : i32
    %add3A_46 = arith.addi %mul3A_16, %add3A_45 : i32
    "tpu.region"() ({
      %run_scoped3A = tpu.sem_alloc : memref<!tpu.dma_semaphore, #tpu.memory_space<semaphore_mem>>
      %dma_start3A_126 = arith.constant 0 : i32
      %dma_start3A_127 = arith.constant 0 : i32
      %dma_start3A_128 = tpu.memref_slice %arg10[%dma_start3A_126, %dma_start3A_127] : memref<80x128xbf16, #tpu.memory_space<vmem>> -> memref<66x128xbf16, #tpu.memory_space<vmem>>
      %dma_start3A_129 = arith.constant 0 : i32
      %dma_start3A_130 = tpu.memref_slice %arg15[%add3A_46, %dma_start3A_129] : memref<10016x128xbf16, #tpu.memory_space<vmem_shared>> -> memref<66x128xbf16, #tpu.memory_space<vmem_shared>>
      %dma_start3A_131 = arith.constant 0 : i32
      %dma_start3A_132 = tpu.memref_slice %arg15[%add3A_46, %dma_start3A_131] : memref<10016x128xbf16, #tpu.memory_space<vmem_shared>> -> memref<66x128xbf16, #tpu.memory_space<vmem_shared>>
      %dma_start3A_133 = arith.constant 0 : i32
      %dma_start3A_134 = arith.constant 0 : i32
      %dma_start3A_135 = tpu.memref_slice %arg10[%dma_start3A_133, %dma_start3A_134] : memref<80x128xbf16, #tpu.memory_space<vmem>> -> memref<66x128xbf16, #tpu.memory_space<vmem>>
      tpu.enqueue_dma source(%dma_start3A_135 : memref<66x128xbf16, #tpu.memory_space<vmem>>) target(%dma_start3A_132 : memref<66x128xbf16, #tpu.memory_space<vmem_shared>>) target_semaphore(%run_scoped3A : memref<!tpu.dma_semaphore, #tpu.memory_space<semaphore_mem>>)
      %dma_wait3A_136 = arith.constant 0 : i32
      %dma_wait3A_137 = arith.constant 0 : i32
      %dma_wait3A_138 = tpu.memref_slice %arg10[%dma_wait3A_136, %dma_wait3A_137] : memref<80x128xbf16, #tpu.memory_space<vmem>> -> memref<66x128xbf16, #tpu.memory_space<vmem>>
      %dma_wait3A_139 = arith.constant 0 : i32
      %dma_wait3A_140 = tpu.memref_slice %arg15[%add3A_46, %dma_wait3A_139] : memref<10016x128xbf16, #tpu.memory_space<vmem_shared>> -> memref<66x128xbf16, #tpu.memory_space<vmem_shared>>
      %dma_wait3A_141 = arith.constant 0 : i32
      %dma_wait3A_142 = tpu.memref_slice %arg15[%add3A_46, %dma_wait3A_141] : memref<10016x128xbf16, #tpu.memory_space<vmem_shared>> -> memref<66x128xbf16, #tpu.memory_space<vmem_shared>>
      %dma_wait3A_143 = arith.constant 0 : i32
      %dma_wait3A_144 = arith.constant 0 : i32
      %dma_wait3A_145 = tpu.memref_slice %arg10[%dma_wait3A_143, %dma_wait3A_144] : memref<80x128xbf16, #tpu.memory_space<vmem>> -> memref<66x128xbf16, #tpu.memory_space<vmem>>
      tpu.wait_dma2 semaphore(%run_scoped3A : memref<!tpu.dma_semaphore, #tpu.memory_space<semaphore_mem>>) src(%dma_wait3A_145 : memref<66x128xbf16, #tpu.memory_space<vmem>>) dst(%dma_wait3A_142 : memref<66x128xbf16, #tpu.memory_space<vmem_shared>>)
      tpu.yield
    }) : () -> ()
    %add3A_47 = arith.constant 560 : i32
    %add3A_48 = arith.addi %mul3A_16, %add3A_47 : i32
    "tpu.region"() ({
      %run_scoped3A = tpu.sem_alloc : memref<!tpu.dma_semaphore, #tpu.memory_space<semaphore_mem>>
      %dma_start3A_126 = arith.constant 0 : i32
      %dma_start3A_127 = arith.constant 0 : i32
      %dma_start3A_128 = tpu.memref_slice %arg14[%dma_start3A_126, %dma_start3A_127] : memref<80x16xf32, #tpu.memory_space<vmem>> -> memref<66x8xf32, #tpu.memory_space<vmem>>
      %dma_start3A_129 = arith.constant 0 : i32
      %dma_start3A_130 = tpu.memref_slice %arg16[%add3A_48, %dma_start3A_129] : memref<10016x8xf32, #tpu.memory_space<vmem_shared>> -> memref<66x8xf32, #tpu.memory_space<vmem_shared>>
      %dma_start3A_131 = arith.constant 0 : i32
      %dma_start3A_132 = tpu.memref_slice %arg16[%add3A_48, %dma_start3A_131] : memref<10016x8xf32, #tpu.memory_space<vmem_shared>> -> memref<66x8xf32, #tpu.memory_space<vmem_shared>>
      %dma_start3A_133 = arith.constant 0 : i32
      %dma_start3A_134 = arith.constant 0 : i32
      %dma_start3A_135 = tpu.memref_slice %arg14[%dma_start3A_133, %dma_start3A_134] : memref<80x16xf32, #tpu.memory_space<vmem>> -> memref<66x8xf32, #tpu.memory_space<vmem>>
      tpu.enqueue_dma source(%dma_start3A_135 : memref<66x8xf32, #tpu.memory_space<vmem>>) target(%dma_start3A_132 : memref<66x8xf32, #tpu.memory_space<vmem_shared>>) target_semaphore(%run_scoped3A : memref<!tpu.dma_semaphore, #tpu.memory_space<semaphore_mem>>)
      %dma_wait3A_136 = arith.constant 0 : i32
      %dma_wait3A_137 = arith.constant 0 : i32
      %dma_wait3A_138 = tpu.memref_slice %arg14[%dma_wait3A_136, %dma_wait3A_137] : memref<80x16xf32, #tpu.memory_space<vmem>> -> memref<66x8xf32, #tpu.memory_space<vmem>>
      %dma_wait3A_139 = arith.constant 0 : i32
      %dma_wait3A_140 = tpu.memref_slice %arg16[%add3A_48, %dma_wait3A_139] : memref<10016x8xf32, #tpu.memory_space<vmem_shared>> -> memref<66x8xf32, #tpu.memory_space<vmem_shared>>
      %dma_wait3A_141 = arith.constant 0 : i32
      %dma_wait3A_142 = tpu.memref_slice %arg16[%add3A_48, %dma_wait3A_141] : memref<10016x8xf32, #tpu.memory_space<vmem_shared>> -> memref<66x8xf32, #tpu.memory_space<vmem_shared>>
      %dma_wait3A_143 = arith.constant 0 : i32
      %dma_wait3A_144 = arith.constant 0 : i32
      %dma_wait3A_145 = tpu.memref_slice %arg14[%dma_wait3A_143, %dma_wait3A_144] : memref<80x16xf32, #tpu.memory_space<vmem>> -> memref<66x8xf32, #tpu.memory_space<vmem>>
      tpu.wait_dma2 semaphore(%run_scoped3A : memref<!tpu.dma_semaphore, #tpu.memory_space<semaphore_mem>>) src(%dma_wait3A_145 : memref<66x8xf32, #tpu.memory_space<vmem>>) dst(%dma_wait3A_142 : memref<66x8xf32, #tpu.memory_space<vmem_shared>>)
      tpu.yield
    }) : () -> ()
    %barrier3A = arith.constant 0 : index
    tpu.barrier barrier_id(%barrier3A)
    "tpu.region"() ({
      %run_scoped3A = tpu.sem_alloc : memref<!tpu.dma_semaphore, #tpu.memory_space<semaphore_mem>>
      %dma_start3A_126 = arith.constant 0 : i32
      %dma_start3A_127 = arith.constant 0 : i32
      %dma_start3A_128 = tpu.memref_slice %arg4[%add3A, %dma_start3A_126, %dma_start3A_127] : memref<32x125x80xi32, #tpu.memory_space<hbm>> -> memref<1x125x80xi32, #tpu.memory_space<hbm>>
      %dma_start3A_129 = tpu.memref_squeeze %dma_start3A_128 : memref<1x125x80xi32, #tpu.memory_space<hbm>> -> memref<125x80xi32, #tpu.memory_space<hbm>>
      %dma_start3A_130 = arith.constant 0 : i32
      %dma_start3A_131 = arith.constant 0 : i32
      %dma_start3A_132 = tpu.memref_slice %arg4[%add3A, %dma_start3A_130, %dma_start3A_131] : memref<32x125x80xi32, #tpu.memory_space<hbm>> -> memref<1x125x80xi32, #tpu.memory_space<hbm>>
      %dma_start3A_133 = tpu.memref_squeeze %dma_start3A_132 : memref<1x125x80xi32, #tpu.memory_space<hbm>> -> memref<125x80xi32, #tpu.memory_space<hbm>>
      tpu.enqueue_dma source(%dma_start3A_133 : memref<125x80xi32, #tpu.memory_space<hbm>>) target(%arg8 : memref<125x80xi32, #tpu.memory_space<vmem>>) target_semaphore(%run_scoped3A : memref<!tpu.dma_semaphore, #tpu.memory_space<semaphore_mem>>)
      %dma_wait3A_134 = arith.constant 0 : i32
      %dma_wait3A_135 = arith.constant 0 : i32
      %dma_wait3A_136 = tpu.memref_slice %arg4[%add3A, %dma_wait3A_134, %dma_wait3A_135] : memref<32x125x80xi32, #tpu.memory_space<hbm>> -> memref<1x125x80xi32, #tpu.memory_space<hbm>>
      %dma_wait3A_137 = tpu.memref_squeeze %dma_wait3A_136 : memref<1x125x80xi32, #tpu.memory_space<hbm>> -> memref<125x80xi32, #tpu.memory_space<hbm>>
      %dma_wait3A_138 = arith.constant 0 : i32
      %dma_wait3A_139 = arith.constant 0 : i32
      %dma_wait3A_140 = tpu.memref_slice %arg4[%add3A, %dma_wait3A_138, %dma_wait3A_139] : memref<32x125x80xi32, #tpu.memory_space<hbm>> -> memref<1x125x80xi32, #tpu.memory_space<hbm>>
      %dma_wait3A_141 = tpu.memref_squeeze %dma_wait3A_140 : memref<1x125x80xi32, #tpu.memory_space<hbm>> -> memref<125x80xi32, #tpu.memory_space<hbm>>
      tpu.wait_dma2 semaphore(%run_scoped3A : memref<!tpu.dma_semaphore, #tpu.memory_space<semaphore_mem>>) src(%dma_wait3A_141 : memref<125x80xi32, #tpu.memory_space<hbm>>) dst(%arg8 : memref<125x80xi32, #tpu.memory_space<vmem>>)
      tpu.yield
    }) : () -> ()
    "tpu.region"() ({
      %run_scoped3A = tpu.sem_alloc : memref<!tpu.dma_semaphore, #tpu.memory_space<semaphore_mem>>
      %dma_start3A_126 = arith.constant 0 : i32
      %dma_start3A_127 = arith.constant 0 : i32
      %dma_start3A_128 = tpu.memref_slice %arg5[%add3A, %dma_start3A_126, %dma_start3A_127] : memref<32x125x80xi32, #tpu.memory_space<hbm>> -> memref<1x125x80xi32, #tpu.memory_space<hbm>>
      %dma_start3A_129 = tpu.memref_squeeze %dma_start3A_128 : memref<1x125x80xi32, #tpu.memory_space<hbm>> -> memref<125x80xi32, #tpu.memory_space<hbm>>
      %dma_start3A_130 = arith.constant 0 : i32
      %dma_start3A_131 = arith.constant 0 : i32
      %dma_start3A_132 = tpu.memref_slice %arg5[%add3A, %dma_start3A_130, %dma_start3A_131] : memref<32x125x80xi32, #tpu.memory_space<hbm>> -> memref<1x125x80xi32, #tpu.memory_space<hbm>>
      %dma_start3A_133 = tpu.memref_squeeze %dma_start3A_132 : memref<1x125x80xi32, #tpu.memory_space<hbm>> -> memref<125x80xi32, #tpu.memory_space<hbm>>
      tpu.enqueue_dma source(%dma_start3A_133 : memref<125x80xi32, #tpu.memory_space<hbm>>) target(%arg9 : memref<125x80xi32, #tpu.memory_space<vmem>>) target_semaphore(%run_scoped3A : memref<!tpu.dma_semaphore, #tpu.memory_space<semaphore_mem>>)
      %dma_wait3A_134 = arith.constant 0 : i32
      %dma_wait3A_135 = arith.constant 0 : i32
      %dma_wait3A_136 = tpu.memref_slice %arg5[%add3A, %dma_wait3A_134, %dma_wait3A_135] : memref<32x125x80xi32, #tpu.memory_space<hbm>> -> memref<1x125x80xi32, #tpu.memory_space<hbm>>
      %dma_wait3A_137 = tpu.memref_squeeze %dma_wait3A_136 : memref<1x125x80xi32, #tpu.memory_space<hbm>> -> memref<125x80xi32, #tpu.memory_space<hbm>>
      %dma_wait3A_138 = arith.constant 0 : i32
      %dma_wait3A_139 = arith.constant 0 : i32
      %dma_wait3A_140 = tpu.memref_slice %arg5[%add3A, %dma_wait3A_138, %dma_wait3A_139] : memref<32x125x80xi32, #tpu.memory_space<hbm>> -> memref<1x125x80xi32, #tpu.memory_space<hbm>>
      %dma_wait3A_141 = tpu.memref_squeeze %dma_wait3A_140 : memref<1x125x80xi32, #tpu.memory_space<hbm>> -> memref<125x80xi32, #tpu.memory_space<hbm>>
      tpu.wait_dma2 semaphore(%run_scoped3A : memref<!tpu.dma_semaphore, #tpu.memory_space<semaphore_mem>>) src(%dma_wait3A_141 : memref<125x80xi32, #tpu.memory_space<hbm>>) dst(%arg9 : memref<125x80xi32, #tpu.memory_space<vmem>>)
      tpu.yield
    }) : () -> ()
    %dma_start3A = arith.constant 0 : i32
    %dma_start3A_49 = arith.constant 0 : i32
    %dma_start3A_50 = tpu.memref_slice %arg8[%dma_start3A, %dma_start3A_49] : memref<125x80xi32, #tpu.memory_space<vmem>> -> memref<1x80xi32, #tpu.memory_space<vmem>>
    %dma_start3A_51 = tpu.memref_squeeze %dma_start3A_50 : memref<1x80xi32, #tpu.memory_space<vmem>> -> memref<80xi32, #tpu.memory_space<vmem>>
    %dma_start3A_52 = arith.constant 0 : i32
    %dma_start3A_53 = arith.constant 0 : i32
    %dma_start3A_54 = tpu.memref_slice %arg2[%dma_start3A_52, %dma_start3A_53] : memref<10000x128xbf16, #tpu.memory_space<hbm>> -> memref<10000x128xbf16, #tpu.memory_space<hbm>>
    tpu.enqueue_indirect_dma source(%dma_start3A_54 : memref<10000x128xbf16, #tpu.memory_space<hbm>>) target(%arg10 : memref<80x128xbf16, #tpu.memory_space<vmem>>) offsets(%dma_start3A_51 : memref<80xi32, #tpu.memory_space<vmem>>) semaphore(%arg17 : memref<!tpu.dma_semaphore, #tpu.memory_space<semaphore_mem>>)
    %dma_start3A_55 = arith.constant 0 : i32
    %dma_start3A_56 = arith.constant 0 : i32
    %dma_start3A_57 = tpu.memref_slice %arg8[%dma_start3A_55, %dma_start3A_56] : memref<125x80xi32, #tpu.memory_space<vmem>> -> memref<1x80xi32, #tpu.memory_space<vmem>>
    %dma_start3A_58 = tpu.memref_squeeze %dma_start3A_57 : memref<1x80xi32, #tpu.memory_space<vmem>> -> memref<80xi32, #tpu.memory_space<vmem>>
    %dma_start3A_59 = arith.constant 0 : i32
    %dma_start3A_60 = arith.constant 0 : i32
    %dma_start3A_61 = tpu.memref_slice %arg3[%dma_start3A_59, %dma_start3A_60] : memref<10000x8xf32, #tpu.memory_space<hbm>> -> memref<10000x8xf32, #tpu.memory_space<hbm>>
    tpu.enqueue_indirect_dma source(%dma_start3A_61 : memref<10000x8xf32, #tpu.memory_space<hbm>>) target(%arg12 : memref<80x8xf32, #tpu.memory_space<vmem>>) offsets(%dma_start3A_58 : memref<80xi32, #tpu.memory_space<vmem>>) semaphore(%arg19 : memref<!tpu.dma_semaphore, #tpu.memory_space<semaphore_mem>>)
    %dma_start3A_62 = arith.constant 1 : i32
    %dma_start3A_63 = arith.constant 0 : i32
    %dma_start3A_64 = tpu.memref_slice %arg8[%dma_start3A_62, %dma_start3A_63] : memref<125x80xi32, #tpu.memory_space<vmem>> -> memref<1x80xi32, #tpu.memory_space<vmem>>
    %dma_start3A_65 = tpu.memref_squeeze %dma_start3A_64 : memref<1x80xi32, #tpu.memory_space<vmem>> -> memref<80xi32, #tpu.memory_space<vmem>>
    %dma_start3A_66 = arith.constant 0 : i32
    %dma_start3A_67 = arith.constant 0 : i32
    %dma_start3A_68 = tpu.memref_slice %arg2[%dma_start3A_66, %dma_start3A_67] : memref<10000x128xbf16, #tpu.memory_space<hbm>> -> memref<10000x128xbf16, #tpu.memory_space<hbm>>
    tpu.enqueue_indirect_dma source(%dma_start3A_68 : memref<10000x128xbf16, #tpu.memory_space<hbm>>) target(%arg11 : memref<80x128xbf16, #tpu.memory_space<vmem>>) offsets(%dma_start3A_65 : memref<80xi32, #tpu.memory_space<vmem>>) semaphore(%arg18 : memref<!tpu.dma_semaphore, #tpu.memory_space<semaphore_mem>>)
    %dma_start3A_69 = arith.constant 1 : i32
    %dma_start3A_70 = arith.constant 0 : i32
    %dma_start3A_71 = tpu.memref_slice %arg8[%dma_start3A_69, %dma_start3A_70] : memref<125x80xi32, #tpu.memory_space<vmem>> -> memref<1x80xi32, #tpu.memory_space<vmem>>
    %dma_start3A_72 = tpu.memref_squeeze %dma_start3A_71 : memref<1x80xi32, #tpu.memory_space<vmem>> -> memref<80xi32, #tpu.memory_space<vmem>>
    %dma_start3A_73 = arith.constant 0 : i32
    %dma_start3A_74 = arith.constant 0 : i32
    %dma_start3A_75 = tpu.memref_slice %arg3[%dma_start3A_73, %dma_start3A_74] : memref<10000x8xf32, #tpu.memory_space<hbm>> -> memref<10000x8xf32, #tpu.memory_space<hbm>>
    tpu.enqueue_indirect_dma source(%dma_start3A_75 : memref<10000x8xf32, #tpu.memory_space<hbm>>) target(%arg13 : memref<80x8xf32, #tpu.memory_space<vmem>>) offsets(%dma_start3A_72 : memref<80xi32, #tpu.memory_space<vmem>>) semaphore(%arg20 : memref<!tpu.dma_semaphore, #tpu.memory_space<semaphore_mem>>)
    %scan3A_76 = arith.constant 0 : i32
    %scan3A_77 = arith.constant 0 : i32
    %scan3A_78 = arith.constant 62 : i32
    %scan3A_79 = arith.addi %scan3A_77, %scan3A_78 : i32
    %scan3A_80 = arith.constant 1 : i32
    scf.for %scan3A_126 = %scan3A_77 to %scan3A_79 step %scan3A_80  : i32 {
      %mul3A_127 = arith.constant 2 : i32
      %mul3A_128 = arith.muli %mul3A_127, %scan3A_126 : i32
      %dma_wait3A_129 = arith.constant 0 : i32
      %dma_wait3A_130 = tpu.memref_slice %arg8[%mul3A_128, %dma_wait3A_129] : memref<125x80xi32, #tpu.memory_space<vmem>> -> memref<1x80xi32, #tpu.memory_space<vmem>>
      %dma_wait3A_131 = tpu.memref_squeeze %dma_wait3A_130 : memref<1x80xi32, #tpu.memory_space<vmem>> -> memref<80xi32, #tpu.memory_space<vmem>>
      %dma_wait3A_132 = arith.constant 0 : i32
      %dma_wait3A_133 = arith.constant 0 : i32
      %dma_wait3A_134 = tpu.memref_slice %arg2[%dma_wait3A_132, %dma_wait3A_133] : memref<10000x128xbf16, #tpu.memory_space<hbm>> -> memref<10000x128xbf16, #tpu.memory_space<hbm>>
      tpu.wait_indirect_dma semaphore(%arg17 : memref<!tpu.dma_semaphore, #tpu.memory_space<semaphore_mem>>) src(%dma_wait3A_134 : memref<10000x128xbf16, #tpu.memory_space<hbm>>) dst(%arg10 : memref<80x128xbf16, #tpu.memory_space<vmem>>)
      %dma_wait3A_135 = arith.constant 0 : i32
      %dma_wait3A_136 = tpu.memref_slice %arg8[%mul3A_128, %dma_wait3A_135] : memref<125x80xi32, #tpu.memory_space<vmem>> -> memref<1x80xi32, #tpu.memory_space<vmem>>
      %dma_wait3A_137 = tpu.memref_squeeze %dma_wait3A_136 : memref<1x80xi32, #tpu.memory_space<vmem>> -> memref<80xi32, #tpu.memory_space<vmem>>
      %dma_wait3A_138 = arith.constant 0 : i32
      %dma_wait3A_139 = arith.constant 0 : i32
      %dma_wait3A_140 = tpu.memref_slice %arg3[%dma_wait3A_138, %dma_wait3A_139] : memref<10000x8xf32, #tpu.memory_space<hbm>> -> memref<10000x8xf32, #tpu.memory_space<hbm>>
      tpu.wait_indirect_dma semaphore(%arg19 : memref<!tpu.dma_semaphore, #tpu.memory_space<semaphore_mem>>) src(%dma_wait3A_140 : memref<10000x8xf32, #tpu.memory_space<hbm>>) dst(%arg12 : memref<80x8xf32, #tpu.memory_space<vmem>>)
      %dma_start3A_141 = arith.constant 0 : i32
      %dma_start3A_142 = tpu.memref_slice %arg9[%mul3A_128, %dma_start3A_141] : memref<125x80xi32, #tpu.memory_space<vmem>> -> memref<1x80xi32, #tpu.memory_space<vmem>>
      %dma_start3A_143 = tpu.memref_squeeze %dma_start3A_142 : memref<1x80xi32, #tpu.memory_space<vmem>> -> memref<80xi32, #tpu.memory_space<vmem>>
      %dma_start3A_144 = arith.constant 0 : i32
      %dma_start3A_145 = arith.constant 0 : i32
      %dma_start3A_146 = tpu.memref_slice %arg15[%dma_start3A_144, %dma_start3A_145] : memref<10016x128xbf16, #tpu.memory_space<vmem_shared>> -> memref<10016x128xbf16, #tpu.memory_space<vmem_shared>>
      tpu.enqueue_indirect_dma source(%arg10 : memref<80x128xbf16, #tpu.memory_space<vmem>>) target(%dma_start3A_146 : memref<10016x128xbf16, #tpu.memory_space<vmem_shared>>) offsets(%dma_start3A_143 : memref<80xi32, #tpu.memory_space<vmem>>) semaphore(%arg21 : memref<!tpu.dma_semaphore, #tpu.memory_space<semaphore_mem>>) {add = true}
      %dma_start3A_147 = arith.constant 0 : i32
      %dma_start3A_148 = tpu.memref_slice %arg9[%mul3A_128, %dma_start3A_147] : memref<125x80xi32, #tpu.memory_space<vmem>> -> memref<1x80xi32, #tpu.memory_space<vmem>>
      %dma_start3A_149 = tpu.memref_squeeze %dma_start3A_148 : memref<1x80xi32, #tpu.memory_space<vmem>> -> memref<80xi32, #tpu.memory_space<vmem>>
      %dma_start3A_150 = arith.constant 0 : i32
      %dma_start3A_151 = arith.constant 0 : i32
      %dma_start3A_152 = tpu.memref_slice %arg16[%dma_start3A_150, %dma_start3A_151] : memref<10016x8xf32, #tpu.memory_space<vmem_shared>> -> memref<10016x8xf32, #tpu.memory_space<vmem_shared>>
      tpu.enqueue_indirect_dma source(%arg12 : memref<80x8xf32, #tpu.memory_space<vmem>>) target(%dma_start3A_152 : memref<10016x8xf32, #tpu.memory_space<vmem_shared>>) offsets(%dma_start3A_149 : memref<80xi32, #tpu.memory_space<vmem>>) semaphore(%arg22 : memref<!tpu.dma_semaphore, #tpu.memory_space<semaphore_mem>>) {add = true}
      %dma_wait3A_153 = arith.constant 0 : i32
      %dma_wait3A_154 = tpu.memref_slice %arg9[%mul3A_128, %dma_wait3A_153] : memref<125x80xi32, #tpu.memory_space<vmem>> -> memref<1x80xi32, #tpu.memory_space<vmem>>
      %dma_wait3A_155 = tpu.memref_squeeze %dma_wait3A_154 : memref<1x80xi32, #tpu.memory_space<vmem>> -> memref<80xi32, #tpu.memory_space<vmem>>
      %dma_wait3A_156 = arith.constant 0 : i32
      %dma_wait3A_157 = arith.constant 0 : i32
      %dma_wait3A_158 = tpu.memref_slice %arg15[%dma_wait3A_156, %dma_wait3A_157] : memref<10016x128xbf16, #tpu.memory_space<vmem_shared>> -> memref<10016x128xbf16, #tpu.memory_space<vmem_shared>>
      tpu.wait_indirect_dma semaphore(%arg21 : memref<!tpu.dma_semaphore, #tpu.memory_space<semaphore_mem>>) src(%arg10 : memref<80x128xbf16, #tpu.memory_space<vmem>>) dst(%dma_wait3A_158 : memref<10016x128xbf16, #tpu.memory_space<vmem_shared>>)
      %dma_wait3A_159 = arith.constant 0 : i32
      %dma_wait3A_160 = tpu.memref_slice %arg9[%mul3A_128, %dma_wait3A_159] : memref<125x80xi32, #tpu.memory_space<vmem>> -> memref<1x80xi32, #tpu.memory_space<vmem>>
      %dma_wait3A_161 = tpu.memref_squeeze %dma_wait3A_160 : memref<1x80xi32, #tpu.memory_space<vmem>> -> memref<80xi32, #tpu.memory_space<vmem>>
      %dma_wait3A_162 = arith.constant 0 : i32
      %dma_wait3A_163 = arith.constant 0 : i32
      %dma_wait3A_164 = tpu.memref_slice %arg16[%dma_wait3A_162, %dma_wait3A_163] : memref<10016x8xf32, #tpu.memory_space<vmem_shared>> -> memref<10016x8xf32, #tpu.memory_space<vmem_shared>>
      tpu.wait_indirect_dma semaphore(%arg22 : memref<!tpu.dma_semaphore, #tpu.memory_space<semaphore_mem>>) src(%arg12 : memref<80x8xf32, #tpu.memory_space<vmem>>) dst(%dma_wait3A_164 : memref<10016x8xf32, #tpu.memory_space<vmem_shared>>)
      %add3A_165 = arith.constant 2 : i32
      %add3A_166 = arith.addi %mul3A_128, %add3A_165 : i32
      %lt3A = arith.constant 125 : i32
      %lt3A_167 = arith.cmpi slt, %add3A_166, %lt3A : i32
      %convert_element_type3A = arith.extui %lt3A_167 : i1 to i32
      %cond3A = arith.constant 0 : i32
      %cond3A_168 = arith.cmpi ne, %convert_element_type3A, %cond3A : i32
      scf.if %cond3A_168 {
        %add3A_214 = arith.constant 2 : i32
        %add3A_215 = arith.addi %mul3A_128, %add3A_214 : i32
        %dma_start3A_216 = arith.constant 0 : i32
        %dma_start3A_217 = tpu.memref_slice %arg8[%add3A_215, %dma_start3A_216] : memref<125x80xi32, #tpu.memory_space<vmem>> -> memref<1x80xi32, #tpu.memory_space<vmem>>
        %dma_start3A_218 = tpu.memref_squeeze %dma_start3A_217 : memref<1x80xi32, #tpu.memory_space<vmem>> -> memref<80xi32, #tpu.memory_space<vmem>>
        %dma_start3A_219 = arith.constant 0 : i32
        %dma_start3A_220 = arith.constant 0 : i32
        %dma_start3A_221 = tpu.memref_slice %arg2[%dma_start3A_219, %dma_start3A_220] : memref<10000x128xbf16, #tpu.memory_space<hbm>> -> memref<10000x128xbf16, #tpu.memory_space<hbm>>
        tpu.enqueue_indirect_dma source(%dma_start3A_221 : memref<10000x128xbf16, #tpu.memory_space<hbm>>) target(%arg10 : memref<80x128xbf16, #tpu.memory_space<vmem>>) offsets(%dma_start3A_218 : memref<80xi32, #tpu.memory_space<vmem>>) semaphore(%arg17 : memref<!tpu.dma_semaphore, #tpu.memory_space<semaphore_mem>>)
        %dma_start3A_222 = arith.constant 0 : i32
        %dma_start3A_223 = tpu.memref_slice %arg8[%add3A_215, %dma_start3A_222] : memref<125x80xi32, #tpu.memory_space<vmem>> -> memref<1x80xi32, #tpu.memory_space<vmem>>
        %dma_start3A_224 = tpu.memref_squeeze %dma_start3A_223 : memref<1x80xi32, #tpu.memory_space<vmem>> -> memref<80xi32, #tpu.memory_space<vmem>>
        %dma_start3A_225 = arith.constant 0 : i32
        %dma_start3A_226 = arith.constant 0 : i32
        %dma_start3A_227 = tpu.memref_slice %arg3[%dma_start3A_225, %dma_start3A_226] : memref<10000x8xf32, #tpu.memory_space<hbm>> -> memref<10000x8xf32, #tpu.memory_space<hbm>>
        tpu.enqueue_indirect_dma source(%dma_start3A_227 : memref<10000x8xf32, #tpu.memory_space<hbm>>) target(%arg12 : memref<80x8xf32, #tpu.memory_space<vmem>>) offsets(%dma_start3A_224 : memref<80xi32, #tpu.memory_space<vmem>>) semaphore(%arg19 : memref<!tpu.dma_semaphore, #tpu.memory_space<semaphore_mem>>)
      } else {
      }
      %add3A_169 = arith.constant 1 : i32
      %add3A_170 = arith.addi %mul3A_128, %add3A_169 : i32
      %dma_wait3A_171 = arith.constant 0 : i32
      %dma_wait3A_172 = tpu.memref_slice %arg8[%add3A_170, %dma_wait3A_171] : memref<125x80xi32, #tpu.memory_space<vmem>> -> memref<1x80xi32, #tpu.memory_space<vmem>>
      %dma_wait3A_173 = tpu.memref_squeeze %dma_wait3A_172 : memref<1x80xi32, #tpu.memory_space<vmem>> -> memref<80xi32, #tpu.memory_space<vmem>>
      %dma_wait3A_174 = arith.constant 0 : i32
      %dma_wait3A_175 = arith.constant 0 : i32
      %dma_wait3A_176 = tpu.memref_slice %arg2[%dma_wait3A_174, %dma_wait3A_175] : memref<10000x128xbf16, #tpu.memory_space<hbm>> -> memref<10000x128xbf16, #tpu.memory_space<hbm>>
      tpu.wait_indirect_dma semaphore(%arg18 : memref<!tpu.dma_semaphore, #tpu.memory_space<semaphore_mem>>) src(%dma_wait3A_176 : memref<10000x128xbf16, #tpu.memory_space<hbm>>) dst(%arg11 : memref<80x128xbf16, #tpu.memory_space<vmem>>)
      %dma_wait3A_177 = arith.constant 0 : i32
      %dma_wait3A_178 = tpu.memref_slice %arg8[%add3A_170, %dma_wait3A_177] : memref<125x80xi32, #tpu.memory_space<vmem>> -> memref<1x80xi32, #tpu.memory_space<vmem>>
      %dma_wait3A_179 = tpu.memref_squeeze %dma_wait3A_178 : memref<1x80xi32, #tpu.memory_space<vmem>> -> memref<80xi32, #tpu.memory_space<vmem>>
      %dma_wait3A_180 = arith.constant 0 : i32
      %dma_wait3A_181 = arith.constant 0 : i32
      %dma_wait3A_182 = tpu.memref_slice %arg3[%dma_wait3A_180, %dma_wait3A_181] : memref<10000x8xf32, #tpu.memory_space<hbm>> -> memref<10000x8xf32, #tpu.memory_space<hbm>>
      tpu.wait_indirect_dma semaphore(%arg20 : memref<!tpu.dma_semaphore, #tpu.memory_space<semaphore_mem>>) src(%dma_wait3A_182 : memref<10000x8xf32, #tpu.memory_space<hbm>>) dst(%arg13 : memref<80x8xf32, #tpu.memory_space<vmem>>)
      %dma_start3A_183 = arith.constant 0 : i32
      %dma_start3A_184 = tpu.memref_slice %arg9[%add3A_170, %dma_start3A_183] : memref<125x80xi32, #tpu.memory_space<vmem>> -> memref<1x80xi32, #tpu.memory_space<vmem>>
      %dma_start3A_185 = tpu.memref_squeeze %dma_start3A_184 : memref<1x80xi32, #tpu.memory_space<vmem>> -> memref<80xi32, #tpu.memory_space<vmem>>
      %dma_start3A_186 = arith.constant 0 : i32
      %dma_start3A_187 = arith.constant 0 : i32
      %dma_start3A_188 = tpu.memref_slice %arg15[%dma_start3A_186, %dma_start3A_187] : memref<10016x128xbf16, #tpu.memory_space<vmem_shared>> -> memref<10016x128xbf16, #tpu.memory_space<vmem_shared>>
      tpu.enqueue_indirect_dma source(%arg11 : memref<80x128xbf16, #tpu.memory_space<vmem>>) target(%dma_start3A_188 : memref<10016x128xbf16, #tpu.memory_space<vmem_shared>>) offsets(%dma_start3A_185 : memref<80xi32, #tpu.memory_space<vmem>>) semaphore(%arg21 : memref<!tpu.dma_semaphore, #tpu.memory_space<semaphore_mem>>) {add = true}
      %dma_start3A_189 = arith.constant 0 : i32
      %dma_start3A_190 = tpu.memref_slice %arg9[%add3A_170, %dma_start3A_189] : memref<125x80xi32, #tpu.memory_space<vmem>> -> memref<1x80xi32, #tpu.memory_space<vmem>>
      %dma_start3A_191 = tpu.memref_squeeze %dma_start3A_190 : memref<1x80xi32, #tpu.memory_space<vmem>> -> memref<80xi32, #tpu.memory_space<vmem>>
      %dma_start3A_192 = arith.constant 0 : i32
      %dma_start3A_193 = arith.constant 0 : i32
      %dma_start3A_194 = tpu.memref_slice %arg16[%dma_start3A_192, %dma_start3A_193] : memref<10016x8xf32, #tpu.memory_space<vmem_shared>> -> memref<10016x8xf32, #tpu.memory_space<vmem_shared>>
      tpu.enqueue_indirect_dma source(%arg13 : memref<80x8xf32, #tpu.memory_space<vmem>>) target(%dma_start3A_194 : memref<10016x8xf32, #tpu.memory_space<vmem_shared>>) offsets(%dma_start3A_191 : memref<80xi32, #tpu.memory_space<vmem>>) semaphore(%arg22 : memref<!tpu.dma_semaphore, #tpu.memory_space<semaphore_mem>>) {add = true}
      %dma_wait3A_195 = arith.constant 0 : i32
      %dma_wait3A_196 = tpu.memref_slice %arg9[%add3A_170, %dma_wait3A_195] : memref<125x80xi32, #tpu.memory_space<vmem>> -> memref<1x80xi32, #tpu.memory_space<vmem>>
      %dma_wait3A_197 = tpu.memref_squeeze %dma_wait3A_196 : memref<1x80xi32, #tpu.memory_space<vmem>> -> memref<80xi32, #tpu.memory_space<vmem>>
      %dma_wait3A_198 = arith.constant 0 : i32
      %dma_wait3A_199 = arith.constant 0 : i32
      %dma_wait3A_200 = tpu.memref_slice %arg15[%dma_wait3A_198, %dma_wait3A_199] : memref<10016x128xbf16, #tpu.memory_space<vmem_shared>> -> memref<10016x128xbf16, #tpu.memory_space<vmem_shared>>
      tpu.wait_indirect_dma semaphore(%arg21 : memref<!tpu.dma_semaphore, #tpu.memory_space<semaphore_mem>>) src(%arg11 : memref<80x128xbf16, #tpu.memory_space<vmem>>) dst(%dma_wait3A_200 : memref<10016x128xbf16, #tpu.memory_space<vmem_shared>>)
      %dma_wait3A_201 = arith.constant 0 : i32
      %dma_wait3A_202 = tpu.memref_slice %arg9[%add3A_170, %dma_wait3A_201] : memref<125x80xi32, #tpu.memory_space<vmem>> -> memref<1x80xi32, #tpu.memory_space<vmem>>
      %dma_wait3A_203 = tpu.memref_squeeze %dma_wait3A_202 : memref<1x80xi32, #tpu.memory_space<vmem>> -> memref<80xi32, #tpu.memory_space<vmem>>
      %dma_wait3A_204 = arith.constant 0 : i32
      %dma_wait3A_205 = arith.constant 0 : i32
      %dma_wait3A_206 = tpu.memref_slice %arg16[%dma_wait3A_204, %dma_wait3A_205] : memref<10016x8xf32, #tpu.memory_space<vmem_shared>> -> memref<10016x8xf32, #tpu.memory_space<vmem_shared>>
      tpu.wait_indirect_dma semaphore(%arg22 : memref<!tpu.dma_semaphore, #tpu.memory_space<semaphore_mem>>) src(%arg13 : memref<80x8xf32, #tpu.memory_space<vmem>>) dst(%dma_wait3A_206 : memref<10016x8xf32, #tpu.memory_space<vmem_shared>>)
      %add3A_207 = arith.constant 3 : i32
      %add3A_208 = arith.addi %mul3A_128, %add3A_207 : i32
      %lt3A_209 = arith.constant 125 : i32
      %lt3A_210 = arith.cmpi slt, %add3A_208, %lt3A_209 : i32
      %convert_element_type3A_211 = arith.extui %lt3A_210 : i1 to i32
      %cond3A_212 = arith.constant 0 : i32
      %cond3A_213 = arith.cmpi ne, %convert_element_type3A_211, %cond3A_212 : i32
      scf.if %cond3A_213 {
        %add3A_214 = arith.constant 3 : i32
        %add3A_215 = arith.addi %mul3A_128, %add3A_214 : i32
        %dma_start3A_216 = arith.constant 0 : i32
        %dma_start3A_217 = tpu.memref_slice %arg8[%add3A_215, %dma_start3A_216] : memref<125x80xi32, #tpu.memory_space<vmem>> -> memref<1x80xi32, #tpu.memory_space<vmem>>
        %dma_start3A_218 = tpu.memref_squeeze %dma_start3A_217 : memref<1x80xi32, #tpu.memory_space<vmem>> -> memref<80xi32, #tpu.memory_space<vmem>>
        %dma_start3A_219 = arith.constant 0 : i32
        %dma_start3A_220 = arith.constant 0 : i32
        %dma_start3A_221 = tpu.memref_slice %arg2[%dma_start3A_219, %dma_start3A_220] : memref<10000x128xbf16, #tpu.memory_space<hbm>> -> memref<10000x128xbf16, #tpu.memory_space<hbm>>
        tpu.enqueue_indirect_dma source(%dma_start3A_221 : memref<10000x128xbf16, #tpu.memory_space<hbm>>) target(%arg11 : memref<80x128xbf16, #tpu.memory_space<vmem>>) offsets(%dma_start3A_218 : memref<80xi32, #tpu.memory_space<vmem>>) semaphore(%arg18 : memref<!tpu.dma_semaphore, #tpu.memory_space<semaphore_mem>>)
        %dma_start3A_222 = arith.constant 0 : i32
        %dma_start3A_223 = tpu.memref_slice %arg8[%add3A_215, %dma_start3A_222] : memref<125x80xi32, #tpu.memory_space<vmem>> -> memref<1x80xi32, #tpu.memory_space<vmem>>
        %dma_start3A_224 = tpu.memref_squeeze %dma_start3A_223 : memref<1x80xi32, #tpu.memory_space<vmem>> -> memref<80xi32, #tpu.memory_space<vmem>>
        %dma_start3A_225 = arith.constant 0 : i32
        %dma_start3A_226 = arith.constant 0 : i32
        %dma_start3A_227 = tpu.memref_slice %arg3[%dma_start3A_225, %dma_start3A_226] : memref<10000x8xf32, #tpu.memory_space<hbm>> -> memref<10000x8xf32, #tpu.memory_space<hbm>>
        tpu.enqueue_indirect_dma source(%dma_start3A_227 : memref<10000x8xf32, #tpu.memory_space<hbm>>) target(%arg13 : memref<80x8xf32, #tpu.memory_space<vmem>>) offsets(%dma_start3A_224 : memref<80xi32, #tpu.memory_space<vmem>>) semaphore(%arg20 : memref<!tpu.dma_semaphore, #tpu.memory_space<semaphore_mem>>)
      } else {
      }
    }
    %scan3A_81 = arith.constant 62 : i32
    %dma_wait3A = arith.constant 124 : i32
    %dma_wait3A_82 = arith.constant 0 : i32
    %dma_wait3A_83 = tpu.memref_slice %arg8[%dma_wait3A, %dma_wait3A_82] : memref<125x80xi32, #tpu.memory_space<vmem>> -> memref<1x80xi32, #tpu.memory_space<vmem>>
    %dma_wait3A_84 = tpu.memref_squeeze %dma_wait3A_83 : memref<1x80xi32, #tpu.memory_space<vmem>> -> memref<80xi32, #tpu.memory_space<vmem>>
    %dma_wait3A_85 = arith.constant 0 : i32
    %dma_wait3A_86 = arith.constant 0 : i32
    %dma_wait3A_87 = tpu.memref_slice %arg2[%dma_wait3A_85, %dma_wait3A_86] : memref<10000x128xbf16, #tpu.memory_space<hbm>> -> memref<10000x128xbf16, #tpu.memory_space<hbm>>
    tpu.wait_indirect_dma semaphore(%arg17 : memref<!tpu.dma_semaphore, #tpu.memory_space<semaphore_mem>>) src(%dma_wait3A_87 : memref<10000x128xbf16, #tpu.memory_space<hbm>>) dst(%arg10 : memref<80x128xbf16, #tpu.memory_space<vmem>>)
    %dma_wait3A_88 = arith.constant 124 : i32
    %dma_wait3A_89 = arith.constant 0 : i32
    %dma_wait3A_90 = tpu.memref_slice %arg8[%dma_wait3A_88, %dma_wait3A_89] : memref<125x80xi32, #tpu.memory_space<vmem>> -> memref<1x80xi32, #tpu.memory_space<vmem>>
    %dma_wait3A_91 = tpu.memref_squeeze %dma_wait3A_90 : memref<1x80xi32, #tpu.memory_space<vmem>> -> memref<80xi32, #tpu.memory_space<vmem>>
    %dma_wait3A_92 = arith.constant 0 : i32
    %dma_wait3A_93 = arith.constant 0 : i32
    %dma_wait3A_94 = tpu.memref_slice %arg3[%dma_wait3A_92, %dma_wait3A_93] : memref<10000x8xf32, #tpu.memory_space<hbm>> -> memref<10000x8xf32, #tpu.memory_space<hbm>>
    tpu.wait_indirect_dma semaphore(%arg19 : memref<!tpu.dma_semaphore, #tpu.memory_space<semaphore_mem>>) src(%dma_wait3A_94 : memref<10000x8xf32, #tpu.memory_space<hbm>>) dst(%arg12 : memref<80x8xf32, #tpu.memory_space<vmem>>)
    %dma_start3A_95 = arith.constant 124 : i32
    %dma_start3A_96 = arith.constant 0 : i32
    %dma_start3A_97 = tpu.memref_slice %arg9[%dma_start3A_95, %dma_start3A_96] : memref<125x80xi32, #tpu.memory_space<vmem>> -> memref<1x80xi32, #tpu.memory_space<vmem>>
    %dma_start3A_98 = tpu.memref_squeeze %dma_start3A_97 : memref<1x80xi32, #tpu.memory_space<vmem>> -> memref<80xi32, #tpu.memory_space<vmem>>
    %dma_start3A_99 = arith.constant 0 : i32
    %dma_start3A_100 = arith.constant 0 : i32
    %dma_start3A_101 = tpu.memref_slice %arg15[%dma_start3A_99, %dma_start3A_100] : memref<10016x128xbf16, #tpu.memory_space<vmem_shared>> -> memref<10016x128xbf16, #tpu.memory_space<vmem_shared>>
    tpu.enqueue_indirect_dma source(%arg10 : memref<80x128xbf16, #tpu.memory_space<vmem>>) target(%dma_start3A_101 : memref<10016x128xbf16, #tpu.memory_space<vmem_shared>>) offsets(%dma_start3A_98 : memref<80xi32, #tpu.memory_space<vmem>>) semaphore(%arg21 : memref<!tpu.dma_semaphore, #tpu.memory_space<semaphore_mem>>) {add = true}
    %dma_start3A_102 = arith.constant 124 : i32
    %dma_start3A_103 = arith.constant 0 : i32
    %dma_start3A_104 = tpu.memref_slice %arg9[%dma_start3A_102, %dma_start3A_103] : memref<125x80xi32, #tpu.memory_space<vmem>> -> memref<1x80xi32, #tpu.memory_space<vmem>>
    %dma_start3A_105 = tpu.memref_squeeze %dma_start3A_104 : memref<1x80xi32, #tpu.memory_space<vmem>> -> memref<80xi32, #tpu.memory_space<vmem>>
    %dma_start3A_106 = arith.constant 0 : i32
    %dma_start3A_107 = arith.constant 0 : i32
    %dma_start3A_108 = tpu.memref_slice %arg16[%dma_start3A_106, %dma_start3A_107] : memref<10016x8xf32, #tpu.memory_space<vmem_shared>> -> memref<10016x8xf32, #tpu.memory_space<vmem_shared>>
    tpu.enqueue_indirect_dma source(%arg12 : memref<80x8xf32, #tpu.memory_space<vmem>>) target(%dma_start3A_108 : memref<10016x8xf32, #tpu.memory_space<vmem_shared>>) offsets(%dma_start3A_105 : memref<80xi32, #tpu.memory_space<vmem>>) semaphore(%arg22 : memref<!tpu.dma_semaphore, #tpu.memory_space<semaphore_mem>>) {add = true}
    %dma_wait3A_109 = arith.constant 124 : i32
    %dma_wait3A_110 = arith.constant 0 : i32
    %dma_wait3A_111 = tpu.memref_slice %arg9[%dma_wait3A_109, %dma_wait3A_110] : memref<125x80xi32, #tpu.memory_space<vmem>> -> memref<1x80xi32, #tpu.memory_space<vmem>>
    %dma_wait3A_112 = tpu.memref_squeeze %dma_wait3A_111 : memref<1x80xi32, #tpu.memory_space<vmem>> -> memref<80xi32, #tpu.memory_space<vmem>>
    %dma_wait3A_113 = arith.constant 0 : i32
    %dma_wait3A_114 = arith.constant 0 : i32
    %dma_wait3A_115 = tpu.memref_slice %arg15[%dma_wait3A_113, %dma_wait3A_114] : memref<10016x128xbf16, #tpu.memory_space<vmem_shared>> -> memref<10016x128xbf16, #tpu.memory_space<vmem_shared>>
    tpu.wait_indirect_dma semaphore(%arg21 : memref<!tpu.dma_semaphore, #tpu.memory_space<semaphore_mem>>) src(%arg10 : memref<80x128xbf16, #tpu.memory_space<vmem>>) dst(%dma_wait3A_115 : memref<10016x128xbf16, #tpu.memory_space<vmem_shared>>)
    %dma_wait3A_116 = arith.constant 124 : i32
    %dma_wait3A_117 = arith.constant 0 : i32
    %dma_wait3A_118 = tpu.memref_slice %arg9[%dma_wait3A_116, %dma_wait3A_117] : memref<125x80xi32, #tpu.memory_space<vmem>> -> memref<1x80xi32, #tpu.memory_space<vmem>>
    %dma_wait3A_119 = tpu.memref_squeeze %dma_wait3A_118 : memref<1x80xi32, #tpu.memory_space<vmem>> -> memref<80xi32, #tpu.memory_space<vmem>>
    %dma_wait3A_120 = arith.constant 0 : i32
    %dma_wait3A_121 = arith.constant 0 : i32
    %dma_wait3A_122 = tpu.memref_slice %arg16[%dma_wait3A_120, %dma_wait3A_121] : memref<10016x8xf32, #tpu.memory_space<vmem_shared>> -> memref<10016x8xf32, #tpu.memory_space<vmem_shared>>
    tpu.wait_indirect_dma semaphore(%arg22 : memref<!tpu.dma_semaphore, #tpu.memory_space<semaphore_mem>>) src(%arg12 : memref<80x8xf32, #tpu.memory_space<vmem>>) dst(%dma_wait3A_122 : memref<10016x8xf32, #tpu.memory_space<vmem_shared>>)
    %barrier3A_123 = arith.constant 0 : index
    tpu.barrier barrier_id(%barrier3A_123)
    %mul3A_124 = arith.constant 625 : i32
    %mul3A_125 = arith.muli %arg1, %mul3A_124 : i32
    "tpu.region"() ({
      %run_scoped3A = tpu.sem_alloc : memref<!tpu.dma_semaphore, #tpu.memory_space<semaphore_mem>>
      %dma_start3A_126 = arith.constant 0 : i32
      %dma_start3A_127 = tpu.memref_slice %arg6[%arg0, %mul3A_125, %dma_start3A_126] : memref<2x10000x128xbf16, #tpu.memory_space<hbm>> -> memref<1x625x128xbf16, #tpu.memory_space<hbm>>
      %dma_start3A_128 = tpu.memref_squeeze %dma_start3A_127 : memref<1x625x128xbf16, #tpu.memory_space<hbm>> -> memref<625x128xbf16, #tpu.memory_space<hbm>>
      %dma_start3A_129 = arith.constant 0 : i32
      %dma_start3A_130 = tpu.memref_slice %arg15[%mul3A_125, %dma_start3A_129] : memref<10016x128xbf16, #tpu.memory_space<vmem_shared>> -> memref<625x128xbf16, #tpu.memory_space<vmem_shared>>
      tpu.enqueue_dma source(%dma_start3A_130 : memref<625x128xbf16, #tpu.memory_space<vmem_shared>>) target(%dma_start3A_128 : memref<625x128xbf16, #tpu.memory_space<hbm>>) target_semaphore(%run_scoped3A : memref<!tpu.dma_semaphore, #tpu.memory_space<semaphore_mem>>)
      %dma_wait3A_131 = arith.constant 0 : i32
      %dma_wait3A_132 = tpu.memref_slice %arg6[%arg0, %mul3A_125, %dma_wait3A_131] : memref<2x10000x128xbf16, #tpu.memory_space<hbm>> -> memref<1x625x128xbf16, #tpu.memory_space<hbm>>
      %dma_wait3A_133 = tpu.memref_squeeze %dma_wait3A_132 : memref<1x625x128xbf16, #tpu.memory_space<hbm>> -> memref<625x128xbf16, #tpu.memory_space<hbm>>
      %dma_wait3A_134 = arith.constant 0 : i32
      %dma_wait3A_135 = tpu.memref_slice %arg15[%mul3A_125, %dma_wait3A_134] : memref<10016x128xbf16, #tpu.memory_space<vmem_shared>> -> memref<625x128xbf16, #tpu.memory_space<vmem_shared>>
      tpu.wait_dma2 semaphore(%run_scoped3A : memref<!tpu.dma_semaphore, #tpu.memory_space<semaphore_mem>>) src(%dma_wait3A_135 : memref<625x128xbf16, #tpu.memory_space<vmem_shared>>) dst(%dma_wait3A_133 : memref<625x128xbf16, #tpu.memory_space<hbm>>)
      tpu.yield
    }) : () -> ()
    "tpu.region"() ({
      %run_scoped3A = tpu.sem_alloc : memref<!tpu.dma_semaphore, #tpu.memory_space<semaphore_mem>>
      %dma_start3A_126 = arith.constant 0 : i32
      %dma_start3A_127 = tpu.memref_slice %arg7[%arg0, %mul3A_125, %dma_start3A_126] : memref<2x10000x128xf32, #tpu.memory_space<hbm>> -> memref<1x625x8xf32, #tpu.memory_space<hbm>>
      %dma_start3A_128 = tpu.memref_squeeze %dma_start3A_127 : memref<1x625x8xf32, #tpu.memory_space<hbm>> -> memref<625x8xf32, #tpu.memory_space<hbm>>
      %dma_start3A_129 = arith.constant 0 : i32
      %dma_start3A_130 = tpu.memref_slice %arg16[%mul3A_125, %dma_start3A_129] : memref<10016x8xf32, #tpu.memory_space<vmem_shared>> -> memref<625x8xf32, #tpu.memory_space<vmem_shared>>
      tpu.enqueue_dma source(%dma_start3A_130 : memref<625x8xf32, #tpu.memory_space<vmem_shared>>) target(%dma_start3A_128 : memref<625x8xf32, #tpu.memory_space<hbm>>) target_semaphore(%run_scoped3A : memref<!tpu.dma_semaphore, #tpu.memory_space<semaphore_mem>>)
      %dma_wait3A_131 = arith.constant 0 : i32
      %dma_wait3A_132 = tpu.memref_slice %arg7[%arg0, %mul3A_125, %dma_wait3A_131] : memref<2x10000x128xf32, #tpu.memory_space<hbm>> -> memref<1x625x8xf32, #tpu.memory_space<hbm>>
      %dma_wait3A_133 = tpu.memref_squeeze %dma_wait3A_132 : memref<1x625x8xf32, #tpu.memory_space<hbm>> -> memref<625x8xf32, #tpu.memory_space<hbm>>
      %dma_wait3A_134 = arith.constant 0 : i32
      %dma_wait3A_135 = tpu.memref_slice %arg16[%mul3A_125, %dma_wait3A_134] : memref<10016x8xf32, #tpu.memory_space<vmem_shared>> -> memref<625x8xf32, #tpu.memory_space<vmem_shared>>
      tpu.wait_dma2 semaphore(%run_scoped3A : memref<!tpu.dma_semaphore, #tpu.memory_space<semaphore_mem>>) src(%dma_wait3A_135 : memref<625x8xf32, #tpu.memory_space<vmem_shared>>) dst(%dma_wait3A_133 : memref<625x8xf32, #tpu.memory_space<hbm>>)
      tpu.yield
    }) : () -> ()
    return
  }
}

module attributes {stable_mosaic.version = 14 : i64} {
  func.func @body(%arg0: i32, %arg1: memref<2000x128xf32, #tpu.memory_space<vmem>>, %arg2: memref<2000x8xf32, #tpu.memory_space<vmem>>, %arg3: memref<128x128xf32, #tpu.memory_space<vmem>>, %arg4: memref<1x128xf32, #tpu.memory_space<vmem>>, %arg5: memref<128x128xf32, #tpu.memory_space<vmem>>, %arg6: memref<1x128xf32, #tpu.memory_space<vmem>>, %arg7: memref<2000x8xf32, #tpu.memory_space<vmem>>) attributes {dimension_semantics = [#tpu.dimension_semantics<arbitrary>], iteration_bounds = array<i64: 5>, scalar_prefetch = 0 : i64, scratch_operands = 0 : i64, tpu.core_type = #tpu.core_type<tc>, window_params = [{transform_indices = @transform_0, window_bounds = array<i64: 2000, 128>}, {transform_indices = @transform_1, window_bounds = array<i64: 2000, 8>}, {pipeline_mode = #tpu.pipeline_mode<synchronous>, transform_indices = @transform_2, window_bounds = array<i64: 128, 128>}, {pipeline_mode = #tpu.pipeline_mode<synchronous>, transform_indices = @transform_3, window_bounds = array<i64: 1, 128>}, {pipeline_mode = #tpu.pipeline_mode<synchronous>, transform_indices = @transform_4, window_bounds = array<i64: 128, 128>}, {pipeline_mode = #tpu.pipeline_mode<synchronous>, transform_indices = @transform_5, window_bounds = array<i64: 1, 128>}, {transform_indices = @transform_6, window_bounds = array<i64: 2000, 8>}]} {
    %get3A = arith.constant 0 : index
    %get3A_0 = arith.constant 0 : index
    %get3A_1 = vector.load %arg1[%get3A, %get3A_0] : memref<2000x128xf32, #tpu.memory_space<vmem>>, vector<2000x128xf32>
    %get3A_2 = arith.constant 0 : index
    %get3A_3 = arith.constant 0 : index
    %get3A_4 = vector.load %arg3[%get3A_2, %get3A_3] : memref<128x128xf32, #tpu.memory_space<vmem>>, vector<128x128xf32>
    %dot_general3A = arith.constant dense<0.000000e+00> : vector<2000x128xf32>
    %dot_general3A_5 = tpu.matmul %get3A_1, %get3A_4, %dot_general3A {dimension_numbers = #tpu.dot_dimension_numbers<[1], [0], [0], [1], [0, 0, 1, 1], [], []>, transpose_lhs_hint = false} : vector<2000x128xf32>, vector<128x128xf32>, vector<2000x128xf32> -> vector<2000x128xf32>
    %get3A_6 = arith.constant 0 : index
    %get3A_7 = arith.constant 0 : index
    %get3A_8 = vector.load %arg4[%get3A_6, %get3A_7] : memref<1x128xf32, #tpu.memory_space<vmem>>, vector<1x128xf32>
    %add3A = vector.broadcast %get3A_8 : vector<1x128xf32> to vector<2000x128xf32>
    %add3A_9 = arith.addf %dot_general3A_5, %add3A : vector<2000x128xf32>
    %max3A = arith.constant 0.000000e+00 : f32
    %max3A_10 = vector.broadcast %max3A : f32 to vector<2000x128xf32>
    %max3A_11 = arith.maximumf %add3A_9, %max3A_10 : vector<2000x128xf32>
    %get3A_12 = arith.constant 0 : index
    %get3A_13 = arith.constant 0 : index
    %get3A_14 = vector.load %arg5[%get3A_12, %get3A_13] : memref<128x128xf32, #tpu.memory_space<vmem>>, vector<128x128xf32>
    %dot_general3A_15 = arith.constant dense<0.000000e+00> : vector<2000x128xf32>
    %dot_general3A_16 = tpu.matmul %max3A_11, %get3A_14, %dot_general3A_15 {dimension_numbers = #tpu.dot_dimension_numbers<[1], [0], [0], [1], [0, 0, 1, 1], [], []>, transpose_lhs_hint = false} : vector<2000x128xf32>, vector<128x128xf32>, vector<2000x128xf32> -> vector<2000x128xf32>
    %get3A_17 = arith.constant 0 : index
    %get3A_18 = arith.constant 0 : index
    %get3A_19 = vector.load %arg6[%get3A_17, %get3A_18] : memref<1x128xf32, #tpu.memory_space<vmem>>, vector<1x128xf32>
    %add3A_20 = vector.broadcast %get3A_19 : vector<1x128xf32> to vector<2000x128xf32>
    %add3A_21 = arith.addf %dot_general3A_16, %add3A_20 : vector<2000x128xf32>
    %tanh3A = math.tanh %add3A_21 : vector<2000x128xf32>
    %get3A_22 = arith.constant 0 : index
    %get3A_23 = arith.constant 0 : index
    %get3A_24 = vector.load %arg2[%get3A_22, %get3A_23] : memref<2000x8xf32, #tpu.memory_space<vmem>>, vector<2000x8xf32>
    %slice3A = vector.extract_strided_slice %tanh3A {offsets = [0, 0], sizes = [2000, 8], strides = [1, 1]} : vector<2000x128xf32> to vector<2000x8xf32>
    %sub3A = arith.subf %get3A_24, %slice3A : vector<2000x8xf32>
    %swap3A = arith.constant 0 : index
    %swap3A_25 = arith.constant 0 : index
    %swap3A_26 = vector.load %arg7[%swap3A, %swap3A_25] : memref<2000x8xf32, #tpu.memory_space<vmem>>, vector<2000x8xf32>
    tpu.vector_store %arg7[%swap3A, %swap3A_25], %sub3A {strides = array<i32>} : memref<2000x8xf32, #tpu.memory_space<vmem>>, vector<2000x8xf32>,
    return
  }
  func.func @transform_0(%arg0: i32) -> (i32, i32) {
    %c0_i32 = arith.constant 0 : i32
    %c0_i32_0 = arith.constant 0 : i32
    return %arg0, %c0_i32 : i32, i32
  }
  func.func @transform_1(%arg0: i32) -> (i32, i32) {
    %c0_i32 = arith.constant 0 : i32
    %c0_i32_0 = arith.constant 0 : i32
    return %arg0, %c0_i32 : i32, i32
  }
  func.func @transform_2(%arg0: i32) -> (i32, i32) {
    %c0_i32 = arith.constant 0 : i32
    %c0_i32_0 = arith.constant 0 : i32
    %c0_i32_1 = arith.constant 0 : i32
    return %c0_i32, %c0_i32_0 : i32, i32
  }
  func.func @transform_3(%arg0: i32) -> (i32, i32) {
    %c0_i32 = arith.constant 0 : i32
    %c0_i32_0 = arith.constant 0 : i32
    %c0_i32_1 = arith.constant 0 : i32
    return %c0_i32, %c0_i32_0 : i32, i32
  }
  func.func @transform_4(%arg0: i32) -> (i32, i32) {
    %c0_i32 = arith.constant 0 : i32
    %c0_i32_0 = arith.constant 0 : i32
    %c0_i32_1 = arith.constant 0 : i32
    return %c0_i32, %c0_i32_0 : i32, i32
  }
  func.func @transform_5(%arg0: i32) -> (i32, i32) {
    %c0_i32 = arith.constant 0 : i32
    %c0_i32_0 = arith.constant 0 : i32
    %c0_i32_1 = arith.constant 0 : i32
    return %c0_i32, %c0_i32_0 : i32, i32
  }
  func.func @transform_6(%arg0: i32) -> (i32, i32) {
    %c0_i32 = arith.constant 0 : i32
    %c0_i32_0 = arith.constant 0 : i32
    return %arg0, %c0_i32 : i32, i32
  }
}

module attributes {stable_mosaic.version = 14 : i64} {
  func.func @body(%arg0: i32, %arg1: memref<2000x128xf32, #tpu.memory_space<vmem>>, %arg2: memref<2000x8xf32, #tpu.memory_space<vmem>>, %arg3: memref<2x2000x128xbf16, #tpu.memory_space<vmem>>, %arg4: memref<2x2000x128xf32, #tpu.memory_space<vmem>>, %arg5: memref<8x128xf32, #tpu.memory_space<vmem>>, %arg6: memref<128x128xf32, #tpu.memory_space<vmem>>, %arg7: memref<1x128xf32, #tpu.memory_space<vmem>>, %arg8: memref<128x128xf32, #tpu.memory_space<vmem>>, %arg9: memref<1x128xf32, #tpu.memory_space<vmem>>, %arg10: memref<2000x128xf32, #tpu.memory_space<vmem>>) attributes {dimension_semantics = [#tpu.dimension_semantics<arbitrary>], iteration_bounds = array<i64: 5>, scalar_prefetch = 0 : i64, scratch_operands = 0 : i64, tpu.core_type = #tpu.core_type<tc>, window_params = [{transform_indices = @transform_0, window_bounds = array<i64: 2000, 128>}, {transform_indices = @transform_1, window_bounds = array<i64: 2000, 8>}, {transform_indices = @transform_2, window_bounds = array<i64: 2, 2000, 128>}, {transform_indices = @transform_3, window_bounds = array<i64: 2, 2000, 128>}, {pipeline_mode = #tpu.pipeline_mode<synchronous>, transform_indices = @transform_4, window_bounds = array<i64: 8, 128>}, {pipeline_mode = #tpu.pipeline_mode<synchronous>, transform_indices = @transform_5, window_bounds = array<i64: 128, 128>}, {pipeline_mode = #tpu.pipeline_mode<synchronous>, transform_indices = @transform_6, window_bounds = array<i64: 1, 128>}, {pipeline_mode = #tpu.pipeline_mode<synchronous>, transform_indices = @transform_7, window_bounds = array<i64: 128, 128>}, {pipeline_mode = #tpu.pipeline_mode<synchronous>, transform_indices = @transform_8, window_bounds = array<i64: 1, 128>}, {transform_indices = @transform_9, window_bounds = array<i64: 2000, 128>}]} {
    %get3A = arith.constant 0 : index
    %get3A_0 = arith.constant 0 : index
    %get3A_1 = vector.load %arg1[%get3A, %get3A_0] : memref<2000x128xf32, #tpu.memory_space<vmem>>, vector<2000x128xf32>
    %get3A_2 = arith.constant 0 : index
    %get3A_3 = arith.constant 0 : index
    %get3A_4 = vector.load %arg2[%get3A_2, %get3A_3] : memref<2000x8xf32, #tpu.memory_space<vmem>>, vector<2000x8xf32>
    %get3A_5 = arith.constant 0 : index
    %get3A_6 = arith.constant 0 : index
    %get3A_7 = arith.constant 0 : index
    %get3A_8 = vector.load %arg3[%get3A_5, %get3A_6, %get3A_7] : memref<2x2000x128xbf16, #tpu.memory_space<vmem>>, vector<1x2000x128xbf16>
    %get3A_9 = vector.shape_cast %get3A_8 : vector<1x2000x128xbf16> to vector<2000x128xbf16>
    %convert_element_type3A = arith.extf %get3A_9 : vector<2000x128xbf16> to vector<2000x128xf32>
    %get3A_10 = arith.constant 1 : index
    %get3A_11 = arith.constant 0 : index
    %get3A_12 = arith.constant 0 : index
    %get3A_13 = vector.load %arg3[%get3A_10, %get3A_11, %get3A_12] : memref<2x2000x128xbf16, #tpu.memory_space<vmem>>, vector<1x2000x128xbf16>
    %get3A_14 = vector.shape_cast %get3A_13 : vector<1x2000x128xbf16> to vector<2000x128xbf16>
    %convert_element_type3A_15 = arith.extf %get3A_14 : vector<2000x128xbf16> to vector<2000x128xf32>
    %add3A = arith.addf %convert_element_type3A, %convert_element_type3A_15 : vector<2000x128xf32>
    %get3A_16 = arith.constant 0 : index
    %get3A_17 = arith.constant 0 : index
    %get3A_18 = arith.constant 0 : index
    %get3A_19 = vector.load %arg4[%get3A_16, %get3A_17, %get3A_18] : memref<2x2000x128xf32, #tpu.memory_space<vmem>>, vector<1x2000x128xf32>
    %get3A_20 = vector.shape_cast %get3A_19 : vector<1x2000x128xf32> to vector<2000x128xf32>
    %slice3A = vector.extract_strided_slice %get3A_20 {offsets = [0, 0], sizes = [2000, 8], strides = [1, 1]} : vector<2000x128xf32> to vector<2000x8xf32>
    %get3A_21 = arith.constant 1 : index
    %get3A_22 = arith.constant 0 : index
    %get3A_23 = arith.constant 0 : index
    %get3A_24 = vector.load %arg4[%get3A_21, %get3A_22, %get3A_23] : memref<2x2000x128xf32, #tpu.memory_space<vmem>>, vector<1x2000x128xf32>
    %get3A_25 = vector.shape_cast %get3A_24 : vector<1x2000x128xf32> to vector<2000x128xf32>
    %slice3A_26 = vector.extract_strided_slice %get3A_25 {offsets = [0, 0], sizes = [2000, 8], strides = [1, 1]} : vector<2000x128xf32> to vector<2000x8xf32>
    %add3A_27 = arith.addf %slice3A, %slice3A_26 : vector<2000x8xf32>
    %slice3A_28 = vector.extract_strided_slice %add3A_27 {offsets = [0, 3], sizes = [2000, 1], strides = [1, 1]} : vector<2000x8xf32> to vector<2000x1xf32>
    %max3A = arith.constant 1.000000e+00 : f32
    %max3A_29 = vector.broadcast %max3A : f32 to vector<2000x1xf32>
    %max3A_30 = arith.maximumf %slice3A_28, %max3A_29 : vector<2000x1xf32>
    %div3A = arith.constant 1.000000e+00 : f32
    %div3A_31 = vector.broadcast %div3A : f32 to vector<2000x1xf32>
    %div3A_32 = arith.divf %div3A_31, %max3A_30 : vector<2000x1xf32>
    %mul3A = vector.broadcast %div3A_32 : vector<2000x1xf32> to vector<2000x128xf32>
    %mul3A_33 = arith.mulf %add3A, %mul3A : vector<2000x128xf32>
    %mul3A_34 = vector.broadcast %slice3A_28 : vector<2000x1xf32> to vector<2000x8xf32>
    %mul3A_35 = arith.mulf %mul3A_34, %get3A_4 : vector<2000x8xf32>
    %sub3A = arith.subf %add3A_27, %mul3A_35 : vector<2000x8xf32>
    %mul3A_36 = vector.broadcast %div3A_32 : vector<2000x1xf32> to vector<2000x8xf32>
    %mul3A_37 = arith.mulf %sub3A, %mul3A_36 : vector<2000x8xf32>
    %get3A_38 = arith.constant 0 : index
    %get3A_39 = arith.constant 0 : index
    %get3A_40 = vector.load %arg5[%get3A_38, %get3A_39] : memref<8x128xf32, #tpu.memory_space<vmem>>, vector<8x128xf32>
    %dot_general3A = arith.constant dense<0.000000e+00> : vector<2000x128xf32>
    %dot_general3A_41 = tpu.matmul %mul3A_37, %get3A_40, %dot_general3A {dimension_numbers = #tpu.dot_dimension_numbers<[1], [0], [0], [1], [0, 0, 1, 1], [], []>, transpose_lhs_hint = false} : vector<2000x8xf32>, vector<8x128xf32>, vector<2000x128xf32> -> vector<2000x128xf32>
    %get3A_42 = arith.constant 0 : index
    %get3A_43 = arith.constant 0 : index
    %get3A_44 = vector.load %arg6[%get3A_42, %get3A_43] : memref<128x128xf32, #tpu.memory_space<vmem>>, vector<128x128xf32>
    %dot_general3A_45 = arith.constant dense<0.000000e+00> : vector<2000x128xf32>
    %dot_general3A_46 = tpu.matmul %mul3A_33, %get3A_44, %dot_general3A_45 {dimension_numbers = #tpu.dot_dimension_numbers<[1], [0], [0], [1], [0, 0, 1, 1], [], []>, transpose_lhs_hint = false} : vector<2000x128xf32>, vector<128x128xf32>, vector<2000x128xf32> -> vector<2000x128xf32>
    %add3A_47 = arith.addf %dot_general3A_41, %dot_general3A_46 : vector<2000x128xf32>
    %get3A_48 = arith.constant 0 : index
    %get3A_49 = arith.constant 0 : index
    %get3A_50 = vector.load %arg7[%get3A_48, %get3A_49] : memref<1x128xf32, #tpu.memory_space<vmem>>, vector<1x128xf32>
    %add3A_51 = vector.broadcast %get3A_50 : vector<1x128xf32> to vector<2000x128xf32>
    %add3A_52 = arith.addf %add3A_47, %add3A_51 : vector<2000x128xf32>
    %max3A_53 = arith.constant 0.000000e+00 : f32
    %max3A_54 = vector.broadcast %max3A_53 : f32 to vector<2000x128xf32>
    %max3A_55 = arith.maximumf %add3A_52, %max3A_54 : vector<2000x128xf32>
    %get3A_56 = arith.constant 0 : index
    %get3A_57 = arith.constant 0 : index
    %get3A_58 = vector.load %arg8[%get3A_56, %get3A_57] : memref<128x128xf32, #tpu.memory_space<vmem>>, vector<128x128xf32>
    %dot_general3A_59 = arith.constant dense<0.000000e+00> : vector<2000x128xf32>
    %dot_general3A_60 = tpu.matmul %max3A_55, %get3A_58, %dot_general3A_59 {dimension_numbers = #tpu.dot_dimension_numbers<[1], [0], [0], [1], [0, 0, 1, 1], [], []>, transpose_lhs_hint = false} : vector<2000x128xf32>, vector<128x128xf32>, vector<2000x128xf32> -> vector<2000x128xf32>
    %get3A_61 = arith.constant 0 : index
    %get3A_62 = arith.constant 0 : index
    %get3A_63 = vector.load %arg9[%get3A_61, %get3A_62] : memref<1x128xf32, #tpu.memory_space<vmem>>, vector<1x128xf32>
    %add3A_64 = vector.broadcast %get3A_63 : vector<1x128xf32> to vector<2000x128xf32>
    %add3A_65 = arith.addf %dot_general3A_60, %add3A_64 : vector<2000x128xf32>
    %max3A_66 = arith.constant 0.000000e+00 : f32
    %max3A_67 = vector.broadcast %max3A_66 : f32 to vector<2000x128xf32>
    %max3A_68 = arith.maximumf %add3A_65, %max3A_67 : vector<2000x128xf32>
    %add3A_69 = arith.addf %get3A_1, %max3A_68 : vector<2000x128xf32>
    %swap3A = arith.constant 0 : index
    %swap3A_70 = arith.constant 0 : index
    %swap3A_71 = vector.load %arg10[%swap3A, %swap3A_70] : memref<2000x128xf32, #tpu.memory_space<vmem>>, vector<2000x128xf32>
    tpu.vector_store %arg10[%swap3A, %swap3A_70], %add3A_69 {strides = array<i32>} : memref<2000x128xf32, #tpu.memory_space<vmem>>, vector<2000x128xf32>,
    return
  }
  func.func @transform_0(%arg0: i32) -> (i32, i32) {
    %c0_i32 = arith.constant 0 : i32
    %c0_i32_0 = arith.constant 0 : i32
    return %arg0, %c0_i32 : i32, i32
  }
  func.func @transform_1(%arg0: i32) -> (i32, i32) {
    %c0_i32 = arith.constant 0 : i32
    %c0_i32_0 = arith.constant 0 : i32
    return %arg0, %c0_i32 : i32, i32
  }
  func.func @transform_2(%arg0: i32) -> (i32, i32, i32) {
    %c0_i32 = arith.constant 0 : i32
    %c0_i32_0 = arith.constant 0 : i32
    %c0_i32_1 = arith.constant 0 : i32
    return %c0_i32, %arg0, %c0_i32_0 : i32, i32, i32
  }
  func.func @transform_3(%arg0: i32) -> (i32, i32, i32) {
    %c0_i32 = arith.constant 0 : i32
    %c0_i32_0 = arith.constant 0 : i32
    %c0_i32_1 = arith.constant 0 : i32
    return %c0_i32, %arg0, %c0_i32_0 : i32, i32, i32
  }
  func.func @transform_4(%arg0: i32) -> (i32, i32) {
    %c0_i32 = arith.constant 0 : i32
    %c0_i32_0 = arith.constant 0 : i32
    %c0_i32_1 = arith.constant 0 : i32
    return %c0_i32, %c0_i32_0 : i32, i32
  }
  func.func @transform_5(%arg0: i32) -> (i32, i32) {
    %c0_i32 = arith.constant 0 : i32
    %c0_i32_0 = arith.constant 0 : i32
    %c0_i32_1 = arith.constant 0 : i32
    return %c0_i32, %c0_i32_0 : i32, i32
  }
  func.func @transform_6(%arg0: i32) -> (i32, i32) {
    %c0_i32 = arith.constant 0 : i32
    %c0_i32_0 = arith.constant 0 : i32
    %c0_i32_1 = arith.constant 0 : i32
    return %c0_i32, %c0_i32_0 : i32, i32
  }
  func.func @transform_7(%arg0: i32) -> (i32, i32) {
    %c0_i32 = arith.constant 0 : i32
    %c0_i32_0 = arith.constant 0 : i32
    %c0_i32_1 = arith.constant 0 : i32
    return %c0_i32, %c0_i32_0 : i32, i32
  }
  func.func @transform_8(%arg0: i32) -> (i32, i32) {
    %c0_i32 = arith.constant 0 : i32
    %c0_i32_0 = arith.constant 0 : i32
    %c0_i32_1 = arith.constant 0 : i32
    return %c0_i32, %c0_i32_0 : i32, i32
  }
  func.func @transform_9(%arg0: i32) -> (i32, i32) {
    %c0_i32 = arith.constant 0 : i32
    %c0_i32_0 = arith.constant 0 : i32
    return %arg0, %c0_i32 : i32, i32
  }
}

</mosaic_0001>

<sc_bundles>
// kernel: kernel.5.cloned.1.call-start
scs
__scs_entry_jumppad:
0x0: {  	(pc) =	sbr.rel $0x88, $3  }
0x1: {  	(tag) =	ssettag $0x0;
	lr =	simm.s32 $0x1  }
0x2: {  	[smem:$0x3F96] =	sst lr;
	_ =	strace $0xD0000000  }
0x3: {  	_ = 	snop  }
0x4: {  	_ = 	snop  }
0x5: {  	_ = 	snop  }
0x6: {  	_ = 	snop  }
0x7: {  	_ = 	snop  }
__scs_overlays_trampoline_lowered:
0x8: {  	[smem:$0x3FA5] =	sst s0  }
0x9: {  	[smem:$0x3FA6] =	sst s1  }
0xa: {  	[smem:$0x3FA7] =	sst s2  }
0xb: {  	[smem:$0x3FA8] =	sst s3  }
0xc: {  	[smem:$0x3FA9] =	sst s4  }
0xd: {  	[smem:$0x3FAA] =	sst s5  }
0xe: {  	[smem:$0x3FAB] =	sst s6  }
0xf: {  	[smem:$0x3FAC] =	sst s7  }
0x10: {  	[smem:$0x3FAD] =	sst s8  }
0x11: {  	[smem:$0x3FAE] =	sst s9;
	s0 =	simm.s32 @!p0 $0x0  }
0x12: {  	s1 =	sld [smem:$0x3F94];
	s0 =	simm.s32 @p0 $0x1  }
0x13: {  	[smem:$0x3FAF] =	sst s0;
	s0 =	simm.s32 @!p1 $0x0  }
0x14: {  	s2 =	sld [smem:$0x3F93];
	s0 =	simm.s32 @p1 $0x1  }
0x15: {  	[smem:$0x3FB0] =	sst s0;
	s0 =	simm.s32 @!p2 $0x0  }
0x16: {  	s3 =	sld [smem:$0x3FDB];
	s0 =	simm.s32 @p2 $0x1  }
0x17: {  	s4 =	simm.s32 $0x1BF5;
	[smem:$0x3FB2] =	sst s0  }
0x18: {  	s0 =	sld [smem:$0x3F95];
	_ =	swait.ge [sflag:s4], $0x0  }
0x19: {  	s7 =	sld [smem:$0x3F96]  }
0x1a: {  	s8 =	sadd.s32 $0xFFFFE003, lr  }
0x1b: {  	s9 =	sadd.s32 $0xFFFFFEF7, lr;
	s5 =	simm.s32 $0xFFFFFFFF;
	p2 =	slt.u32 s8, $0xFFFFF086  }
0x1c: {  	p1 =	slt.u32 s9, $0xF7A;
	s5 =	simm.s32 @!p2 $0x0  }
0x1d: {  	s5 =	simm.s32 @p1 $0x1;
	p0 =	seq.s32 s7, s2  }
0x1e: {  	s7 =	smul.u32 @!p0 $0xF7A, s2;
	p2 =	seq.s32 @!p0 s5, $0x0  }
0x1f: {  	s9 =	smul.u32 $0xF7A, s1;
	s8 =	simm.s32 @!p0 $0x1BF5;
	p2 =	por !p2, p0  }
0x20: {  	[sflag:s8] =	ssyncset.s32 @!p0 $0xFFFFF086;
	s6 =	sadd.s32 @!p0 s3, s7;
	s7 =	simm.s32 @!p0 $0x108  }
0x21: {  	s3 =	sadd.s32 s3, s9;
	s6 =	sadd.s32 @!p0 $0x88, s6;
	s7 =	simm.s32 @p2 $0x1082  }
0x22: {  	[simem:s7], [sflag:s8] =	dma.local @!p0 [hbm:s6], $0xF7A  }
0x23: {  	s9 =	sor.u32 $0xD0000000, s2;
	s6 =	simm.s32 $0x108;
	_ =	swait.ge @!p0 [sflag:s8], $0x0  }
0x24: {  	s3 =	sadd.s32 $0x88, s3;
	s6 =	simm.s32 @!p1 $0x1082;
	[sflag:s4] =	ssyncset.s32 $0xFFFFF086  }
0x25: {  	[simem:s6], [sflag:s4] =	dma.local [hbm:s3], $0xF7A  }
0x26: {  	[smem:$0x3F96] =	sst s1;
	(tag) =	ssettag s2;
	_ =	strace s9  }
0x27: {  	s1 =	sld [smem:$0x3FA6]  }
0x28: {  	s2 =	sld [smem:$0x3FA7]  }
0x29: {  	s4 =	sld [smem:$0x3FA9]  }
0x2a: {  	p0 =	seq.s32 s5, $0x0;
	s5 =	sld [smem:$0x3FAA]  }
0x2b: {  	s6 =	sld [smem:$0x3FAB]  }
0x2c: {  	s7 =	sld [smem:$0x3FAC]  }
0x2d: {  	s3 =	simm.s32 $0x108;
	s8 =	sld [smem:$0x3FAD]  }
0x2e: {  	s3 =	simm.s32 @!p0 $0x1082;
	s9 =	sld [smem:$0x3FAE]  }
0x2f: {  	lr =	sadd.s32 s0, s3;
	s0 =	sld [smem:$0x3FA5]  }
0x30: {  	s3 =	sld [smem:$0x3FA8]  }
0x31: {  	[smem:$0x3FB1] =	sst s10  }
0x32: {  	s10 =	sld [smem:$0x3FAF];
	_ =	sdelay $0x3  }
0x33: {  	p0 =	seq.s32 s10, $0x1;
	s10 =	sld [smem:$0x3FB1];
	_ =	sdelay $0x3  }
0x34: {  	[smem:$0x3FB1] =	sst s10  }
0x35: {  	s10 =	sld [smem:$0x3FB0];
	_ =	sdelay $0x3  }
0x36: {  	p1 =	seq.s32 s10, $0x1;
	s10 =	sld [smem:$0x3FB1];
	_ =	sdelay $0x3  }
0x37: {  	[smem:$0x3FB1] =	sst s10  }
0x38: {  	s10 =	sld [smem:$0x3FB2]  }
0x39: {  	_ = 	snop;
	(pc) =	sbr.ind lr, $3  }
0x3a: {  	_ = 	snop  }
0x3b: {  	_ = 	snop  }
0x3c: {  	p2 =	seq.s32 s10, $0x1;
	s10 =	sld [smem:$0x3FB1]  }
0x3d: {  	_ =	shalt  }
0x3e: {  	_ =	shalt  }
0x3f: {  	_ =	shalt  }
0x40: {  	_ =	shalt  }
0x41: {  	_ =	shalt  }
0x42: {  	_ =	shalt  }
0x43: {  	_ =	shalt  }
0x44: {  	_ =	shalt  }
0x45: {  	_ =	shalt  }
0x46: {  	_ =	shalt  }
0x47: {  	_ =	shalt  }
0x48: {  	_ =	shalt  }
0x49: {  	_ =	shalt  }
0x4a: {  	_ =	shalt  }
0x4b: {  	_ =	shalt  }
0x4c: {  	_ =	shalt  }
0x4d: {  	_ =	shalt  }
0x4e: {  	_ =	shalt  }
0x4f: {  	_ =	shalt  }
0x50: {  	_ =	shalt  }
0x51: {  	_ =	shalt  }
0x52: {  	_ =	shalt  }
0x53: {  	_ =	shalt  }
0x54: {  	_ =	shalt  }
0x55: {  	_ =	shalt  }
0x56: {  	_ =	shalt  }
0x57: {  	_ =	shalt  }
0x58: {  	_ =	shalt  }
0x59: {  	_ =	shalt  }
0x5a: {  	_ =	shalt  }
0x5b: {  	_ =	shalt  }
0x5c: {  	_ =	shalt  }
0x5d: {  	_ =	shalt  }
0x5e: {  	_ =	shalt  }
0x5f: {  	_ =	shalt  }
0x60: {  	_ =	shalt  }
0x61: {  	_ =	shalt  }
0x62: {  	_ =	shalt  }
0x63: {  	_ =	shalt  }
0x64: {  	_ =	shalt  }
0x65: {  	_ =	shalt  }
0x66: {  	_ =	shalt  }
0x67: {  	_ =	shalt  }
0x68: {  	_ =	shalt  }
0x69: {  	_ =	shalt  }
0x6a: {  	_ =	shalt  }
0x6b: {  	_ =	shalt  }
0x6c: {  	_ =	shalt  }
0x6d: {  	_ =	shalt  }
0x6e: {  	_ =	shalt  }
0x6f: {  	_ =	shalt  }
0x70: {  	_ =	shalt  }
0x71: {  	_ =	shalt  }
0x72: {  	_ =	shalt  }
0x73: {  	_ =	shalt  }
0x74: {  	_ =	shalt  }
0x75: {  	_ =	shalt  }
0x76: {  	_ =	shalt  }
0x77: {  	_ =	shalt  }
0x78: {  	_ =	shalt  }
0x79: {  	_ =	shalt  }
0x7a: {  	_ =	shalt  }
0x7b: {  	_ =	shalt  }
0x7c: {  	_ =	shalt  }
0x7d: {  	_ =	shalt  }
0x7e: {  	_ =	shalt  }
0x7f: {  	_ =	shalt  }
0x80: {  	_ =	shalt  }
0x81: {  	_ =	shalt  }
0x82: {  	_ =	shalt  }
0x83: {  	_ =	shalt  }
0x84: {  	_ =	shalt  }
0x85: {  	_ =	shalt  }
0x86: {  	_ =	shalt  }
0x87: {  	_ =	shalt  }
.Lfunc_end0:
.L_simem_size_0:
called_computation_lowered:
.L_overlay_start_0:
0x88: {  	s2 =	sld [smem:$0x3FD9]  }
0x89: {  	s3 =	sld [smem:$0x3FFE];
	_ =	sdelay $0x1  }
0x8a: {  	s1 =	srdreg.scid  }
0x8b: {  	s0 =	sand.u32 $0x1, s1  }
0x8c: {  	s17 =	sshll.u32 s0, $0xA;
	s2 =	sadd.s32 s3, s2  }
0x8d: {  	s2 =	sadd.s32 s2, s17  }
0x8e: {  	[smem:$0x3FBD] =	sst s2  }
0x8f: {  	_ = 	snop  }
0x90: {  	s2 =	sld [smem:$0x3FD0];
	(tm) =	ssettm $0x1  }
0x91: {  	s18 =	sld [smem:$0x3FFB];
	_ =	sdelay $0x3  }
0x92: {  	_ =	strace s18  }
0x93: {  	s3 =	sld [smem:$0x3FFC];
	_ =	sdelay $0x3  }
0x94: {  	_ =	strace s3  }
0x95: {  	s3 =	sld [smem:$0x3FFD];
	_ =	sdelay $0x3  }
0x96: {  	_ =	strace s3  }
0x97: {  	_ =	strace $0x8FFFFFFF  }
0x98: {  	s19 =	sld [smem:$0x3FDB];
	_ =	sdelay $0x1  }
0x99: {  	s4 =	simm.s32 $_scs_section_size  }
0x9a: {  	s5 =	simm.s32 $_size__tile_overlayer_lowered;
	s6 =	simm.s32 $_tile_overlayer_lowered  }
0x9b: {  	s22 =	simm.s32 $0x1BFF;
	s21 =	sshll.u32 s6, $0x1;
	s3 =	sadd.s32 s4, s19  }
0x9c: {  	s7 =	simm.s32 $0x0;
	s20 =	sshll.u32 s5, $0x1;
	s5 =	sadd.s32 s21, s3  }
0x9d: {  	[timem:s7], [sflag:s22] =	dma.local [hbm:s5], s20  }
0x9e: {  	_ =	swait.ge [sflag:s22], s20  }
0x9f: {  	s4 =	ssub.s32 $0x0, s20;
	[sflag:s22] =	ssyncset.done $0x0  }
0xa0: {  	[sflag:s22] =	ssyncadd.s32 s4;
	_ =	sdelay $0x1  }
0xa1: {  	s23 =	simm.s32 $0x1B8B  }
0xa2: {  	_ =	swait.ge [sflag:s23], $0x1  }
0xa3: {  	[sflag:s23] =	ssyncset.done $0x0  }
0xa4: {  	s25 =	simm.s32 $0x1B8E;
	s24 =	sld [smem:$0x3FFE];
	[sflag:s23] =	ssyncadd.s32 $0xFFFFFFFF  }
0xa5: {  	s26 =	simm.s32 $execute0_lowered;
	[smem:$0x3FD2] =	sst s25  }
0xa6: {  	s5 =	sshll.u32 s26, $0x1;
	_ =	strace $0x80000046;
	[dreg:$0x1] =	wrdreg $0xFFFFFFFF  }
0xa7: {  	s28 =	simm.s32 $_size_execute0_lowered;
	s3 =	sadd.s32 s3, s5;
	[dreg:$0x0] =	wrdreg $0x0  }
0xa8: {  	s5 =	sshll.u32 s28, $0x1;
	[dreg:$0x2] =	wrdreg s3  }
0xa9: {  	[dreg:$0x3] =	wrdreg s5  }
0xaa: {  	[dreg:$0x4] =	wrdreg $0xC0  }
0xab: {  	_ =	task [dreg:s7], $0x5FFFF  }
0xac: {  	[dreg:$0x1] =	wrdreg $0xFFFFFFFF  }
0xad: {  	[dreg:$0x0] =	wrdreg $0x60  }
0xae: {  	[dreg:$0x2] =	wrdreg s24  }
0xaf: {  	[dreg:$0x3] =	wrdreg s2  }
0xb0: {  	[dreg:$0x4] =	wrdreg $0x80200  }
0xb1: {  	[dreg:$0x5] =	wrdreg $0x11CA00  }
0xb2: {  	[dreg:$0x6] =	wrdreg $0x9  }
0xb3: {  	_ =	task.clear_ibuf [dreg:s7], $0x7FFFF;
	_ =	strace $0x90000046  }
0xb4: {  	s29 =	simm.s32 $0x9;
	_ =	strace $0x80000048  }
0xb5: {  	_ =	swait.ge [sflag:s29], $0x1  }
0xb6: {  	[sflag:s29] =	ssyncadd.s32 $0xFFFFFFFF  }
0xb7: {  	_ =	strace $0x90000048  }
0xb8: {  	_ =	sfence  }
0xb9: {  	s30 =	sld [smem:$0x0];
	_ =	sdelay $0x2  }
0xba: {  	s31 =	sshll.u32 s1, $0xD;
	s1 =	sshrl.u32 s1, $0x2  }
0xbb: {  	s3 =	sand.u32 $0x4000, s31;
	s1 =	sadd.s32 s1, s30  }
0xbc: {  	s0 =	sor.u32 s3, s0;
	s1 =	sshll.u32 s1, $0x11  }
0xbd: {  	s0 =	sor.u32 s1, s0  }
0xbe: {  	s0 =	sadd.s32 $0x8F2B, s0  }
0xbf: {  	[sflag:s0] =	ssyncadd.remote.s32 $0x1  }
0xc0: {  	_ =	sfence.sel $0xFFFF  }
0xc1: {  	[dreg:$0x0] =	wrdreg $0xFFFFFFFF;
	(pc) =	sbr.abs _section_cstart, $3  }
0xc2: {  	[dreg:$0x1] =	wrdreg $0xFFFFFFFF  }
0xc3: {  	_ =	task.clear_ibuf [dreg:s7], $0x2FFFF;
	_ =	strace $0x9FFFFFFF  }
0xc4: {  	(tm) =	ssettm $0x7FFFFFFF  }
0xc5: {  	_ =	shalt  }
tec
execute0_lowered:
.L_overlay_start_1:
0x0: {  	(tag) =	ssettag $0x1  }
0x1: {  	s0 =	rddreg [dreg:$0x0]  }
0x2: {  	s1 =	rddreg [dreg:$0x1]  }
0x3: {  	s3 =	srdreg.scid;
	s20 =	stileid.u32  }
0x4: {  	s2 =	rddreg [dreg:$0x2];
	s11 =	smul.u32 $0x13880, s20  }
0x5: {  	s31 =	simm.s32 $0x4E20;
	s28 =	simm.s32 $0x4DD0;
	s15 =	smul.u32 $0x272, s20  }
0x6: {  	s7 =	sand.u32 $0x1, s3;
	s4 =	sshll.u32 s20, $0x1;
	s30 =	smul.u32 $0x27200, s20  }
0x7: {  	s3 =	rddreg [dreg:$0x3];
	s6 =	sadd.s32 $0x15800, s0;
	s14 =	smul.u32 $0x4E40, s20  }
0x8: {  	s5 =	sor.u32 s7, s4;
	s4 =	simm.s32 $0x0;
	s9 =	smul.u32 $0x138800, s7  }
0x9: {  	s7 =	ssub.s32 $0x2, s7;
	s8 =	smul.u32 $0x4E2, s5;
	[smem:$0x7FF] =	sst s4  }
0xa: {  	s5 =	sadd.s32 $0x1E00, s0;
	s12 =	sshrl.u32 s7, $0x1;
	s16 =	sshrl.u32 s14, $0x2  }
0xb: {  	s17 =	sadd.s32 $0x50, s15;
	s19 =	sadd.s32 $0xA0, s15;
	s24 =	sadd.s32 $0x140, s15  }
0xc: {  	s29 =	sadd.s32 $0x1E0, s15;
	_ =	strace $0x80000047;
	s9 =	sadd.s32 s11, s9  }
0xd: {  	s7 =	ssub.s32 s7, s12;
	s18 =	sshll.u32 s17, $0x6;
	s21 =	sshll.u32 s19, $0x6  }
0xe: {  	s13 =	sadd.s32 s8, s0;
	s10 =	sshrl.u32 s9, $0x3;
	s8 =	sshrl.u32 s30, $0x2  }
0xf: {  	s12 =	sadd.s32 s18, s2;
	s14 =	sadd.s32 s21, s2;
	s18 =	sadd.s32 $0x190, s15  }
0x10: {  	s9 =	sshrl.u32 s9, $0x4;
	s30 =	sshll.u32 s29, $0x6;
	s7 =	smax.u32 s7, $0x1  }
0x11: {  	s0 =	sadd.s32 s10, s0;
	s8 =	sadd.s32 s8, s2;
	[dreg:$0x6] =	wrdreg s12  }
0x12: {  	s10 =	sshll.u32 s17, $0x3;
	s12 =	sshll.u32 s19, $0x3;
	[dreg:$0x7] =	wrdreg s14  }
0x13: {  	s17 =	sshll.u32 s24, $0x6;
	s25 =	sshll.u32 s18, $0x6;
	s26 =	sshll.u32 s18, $0x3  }
0x14: {  	s1 =	sadd.s32 s1, s9;
	s9 =	sadd.s32 s30, s2;
	[dreg:$0x11] =	wrdreg s7  }
0x15: {  	s7 =	simm.s32 $0x7620;
	[dreg:$0x5] =	wrdreg s8;
	s8 =	sadd.s32 s16, s3  }
0x16: {  	s10 =	sadd.s32 s10, s3;
	s16 =	sadd.s32 $0xF0, s15;
	s12 =	sadd.s32 s12, s3  }
0x17: {  	s17 =	sadd.s32 s17, s2;
	[dreg:$0xb] =	wrdreg s1;
	s19 =	sadd.s32 s26, s3  }
0x18: {  	s1 =	sshll.u32 s29, $0x3;
	[dreg:$0xc] =	wrdreg s9;
	s26 =	sshrl.u32 s11, $0x1  }
0x19: {  	s0 =	sadd.s32 $0x2BC00, s0;
	s11 =	simm.s32 $0x78A0;
	s22 =	sshll.u32 s16, $0x6  }
0x1a: {  	s23 =	sshll.u32 s16, $0x3;
	[dreg:$0x9] =	wrdreg s17;
	s16 =	sshll.u32 s24, $0x3  }
0x1b: {  	s17 =	sadd.s32 s25, s2;
	s21 =	sadd.s32 s1, s3;
	s24 =	sadd.s32 $0x21E00, s13  }
0x1c: {  	s25 =	sadd.s32 $0x18000, s13;
	[dreg:$0x10] =	wrdreg s0;
	s13 =	simm.s32 $0x1  }
0x1d: {  	s14 =	sadd.s32 s22, s2;
	s16 =	sadd.s32 s16, s3;
	[dreg:$0xa] =	wrdreg s17  }
0x1e: {  	s17 =	sadd.s32 $0x230, s15;
	s22 =	smul.u32 $0x4E20, s20;
	[dreg:$0xe] =	wrdreg s24  }
0x1f: {  	[dreg:$0xf] =	wrdreg s25;
	s15 =	simm.s32 $0x3;
	s20 =	simm.s32 $0x2  }
0x20: {  	[dreg:$0x8] =	wrdreg s14;
	s14 =	sadd.s32 s23, s3;
	s18 =	sshll.u32 s17, $0x6  }
0x21: {  	s1 =	sshll.u32 s17, $0x3;
	s17 =	simm.s32 $0x5;
	s9 =	sadd.s32 s18, s2  }
0x22: {  	s23 =	sadd.s32 s1, s3;
	s29 =	sshrl.u32 s22, $0x2;
	s1 =	sadd.s32 s26, s2  }
0x23: {  	s18 =	simm.s32 $0x6;
	s22 =	simm.s32 $0x4;
	s26 =	simm.s32 $0x4D80  }
0x24: {  	[dreg:$0xd] =	wrdreg s9;
	s30 =	sadd.s32 s29, s3;
	s1 =	sshrl.u32 s1, $0x3  }
0x25: {  	s9 =	simm.s32 $0x6220;
	[dreg:$0x12] =	wrdreg s1;
	s0 =	sshrl.u32 s30, $0x3  }
0x26: {  	v0 =	vimm.bf16 $0.0e+00;
	v1 =	vimm.f32 $0.0e+00;
	s1 =	simm.s32 $0x7;
	[dreg:$0x13] =	wrdreg s0;
	s0 =	simm.s32 $0x50  }
.LBB2_1:
0x27: {  	s29 =	simm.s32 $0x0;
	s30 =	simm.s32 $0x0  }
.LBB2_2:
0x28: {  	p0 =	sne.s32 s30, $0x4FC0  }
.Ltmp0:
0x29: {  	_ = 	snop;
	(pc) =	sbr.rel @p0 .LBB2_2-.Ltmp0, $4  }
0x2a: {  	s24 =	sand.u32 $0x60, s29;
	s25 =	sand.u32 $0x7F00, s30  }
0x2b: {  	s25 =	sshrl.u32 s25, $0x2;
	s24 =	sshrl.u32 s24, $0x1  }
0x2c: {  	s24 =	sor.u32 s24, s25  }
0x2d: {  	s29 =	sadd.s32 $0x20, s29;
	s30 =	sadd.s32 $0x40, s30;
	[tilespmem:s24+$0x4E20] =	vst v0  }
0x2e: {  	s29 =	simm.s32 $0x40;
	s30 =	simm.s32 $0x0  }
.LBB2_4:
0x2f: {  	p0 =	sne.s32 s29, $0x13C0;
	[tilespmem:s30+$0x7B20] =	vst v1;
	s24 =	smov.u32 s29;
	s29 =	sadd.s32 $0x40, s29  }
.Ltmp1:
0x30: {  	(pc) =	sbr.rel @p0 .LBB2_4-.Ltmp1, $2  }
0x31: {  	_ =	sdelay $0x2  }
0x32: {  	s30 =	sshra.s32 s24, $0x2  }
0x33: {  	[tilespmem:s30+$0x7B20] =	vst v1;
	s24 =	rddreg [dreg:$0x5]  }
0x34: {  	[spmem:s24] =	stream.linear.scatter [tilespmem:s31], [sflag:$0x7], $0x1400, $0x38;
	[tilespmem:$0x13030] =	vst v63  }
0x35: {  	_ =	swait.ge [sflag:s1], $0x1400  }
0x36: {  	s29 =	simm.s32 $0x7B20;
	[sflag:s1] =	ssyncset.done $0x0  }
0x37: {  	s25 =	sadd.s32 $0x0, s8;
	s30 =	simm.s32 $0x20;
	[sflag:s1] =	ssyncadd.s32 $0xFFFFEC00  }
0x38: {  	[spmem:s25] =	stream.linear.scatter [tilespmem:s29], [sflag:$0x7], $0x8, $0x38;
	[tilespmem:$0x13030] =	vst v63  }
.LBB2_6:
0x39: {  	p0 =	sne.s32 s30, $0x9E0  }
.Ltmp2:
0x3a: {  	_ = 	snop;
	(pc) =	sbr.rel @p0 .LBB2_6-.Ltmp2, $4  }
0x3b: {  	_ = 	snop  }
0x3c: {  	s24 =	sshra.s32 s30, $0x2;
	s30 =	sadd.s32 $0x20, s30  }
0x3d: {  	s29 =	sadd.s32 $0x10, s29;
	s24 =	sadd.s32 s24, s8  }
0x3e: {  	[spmem:s24] =	stream.linear.scatter [tilespmem:s29], [sflag:$0x7], $0x8, $0x38;
	[tilespmem:$0x13030] =	vst v63  }
0x3f: {  	_ =	swait.ge [sflag:s1], $0x280  }
0x40: {  	[sflag:s1] =	ssyncset.done $0x0  }
0x41: {  	s24 =	rddreg [dreg:$0x6];
	[sflag:s1] =	ssyncadd.s32 $0xFFFFFD80  }
0x42: {  	[spmem:s24] =	stream.linear.scatter [tilespmem:s31], [sflag:$0x7], $0x1400, $0x38;
	[tilespmem:$0x13030] =	vst v63  }
0x43: {  	_ =	swait.ge [sflag:s1], $0x1400  }
0x44: {  	s29 =	simm.s32 $0x7B20;
	[sflag:s1] =	ssyncset.done $0x0  }
0x45: {  	s25 =	sadd.s32 $0x0, s10;
	s30 =	simm.s32 $0x20;
	[sflag:s1] =	ssyncadd.s32 $0xFFFFEC00  }
0x46: {  	[spmem:s25] =	stream.linear.scatter [tilespmem:s29], [sflag:$0x7], $0x8, $0x38;
	[tilespmem:$0x13030] =	vst v63  }
.LBB2_8:
0x47: {  	p0 =	sne.s32 s30, $0x9E0  }
.Ltmp3:
0x48: {  	_ = 	snop;
	(pc) =	sbr.rel @p0 .LBB2_8-.Ltmp3, $4  }
0x49: {  	_ = 	snop  }
0x4a: {  	s24 =	sshra.s32 s30, $0x2;
	s30 =	sadd.s32 $0x20, s30  }
0x4b: {  	s29 =	sadd.s32 $0x10, s29;
	s24 =	sadd.s32 s24, s10  }
0x4c: {  	[spmem:s24] =	stream.linear.scatter [tilespmem:s29], [sflag:$0x7], $0x8, $0x38;
	[tilespmem:$0x13030] =	vst v63  }
0x4d: {  	_ =	swait.ge [sflag:s1], $0x280  }
0x4e: {  	[sflag:s1] =	ssyncset.done $0x0  }
0x4f: {  	s24 =	rddreg [dreg:$0x7];
	[sflag:s1] =	ssyncadd.s32 $0xFFFFFD80  }
0x50: {  	[spmem:s24] =	stream.linear.scatter [tilespmem:s31], [sflag:$0x7], $0x1400, $0x38;
	[tilespmem:$0x13030] =	vst v63  }
0x51: {  	_ =	swait.ge [sflag:s1], $0x1400  }
0x52: {  	s29 =	simm.s32 $0x7B20;
	[sflag:s1] =	ssyncset.done $0x0  }
0x53: {  	s25 =	sadd.s32 $0x0, s12;
	s30 =	simm.s32 $0x20;
	[sflag:s1] =	ssyncadd.s32 $0xFFFFEC00  }
0x54: {  	[spmem:s25] =	stream.linear.scatter [tilespmem:s29], [sflag:$0x7], $0x8, $0x38;
	[tilespmem:$0x13030] =	vst v63  }
.LBB2_10:
0x55: {  	p0 =	sne.s32 s30, $0x9E0  }
.Ltmp4:
0x56: {  	_ = 	snop;
	(pc) =	sbr.rel @p0 .LBB2_10-.Ltmp4, $4  }
0x57: {  	_ = 	snop  }
0x58: {  	s24 =	sshra.s32 s30, $0x2;
	s30 =	sadd.s32 $0x20, s30  }
0x59: {  	s29 =	sadd.s32 $0x10, s29;
	s24 =	sadd.s32 s24, s12  }
0x5a: {  	[spmem:s24] =	stream.linear.scatter [tilespmem:s29], [sflag:$0x7], $0x8, $0x38;
	[tilespmem:$0x13030] =	vst v63  }
0x5b: {  	_ =	swait.ge [sflag:s1], $0x280  }
0x5c: {  	[sflag:s1] =	ssyncset.done $0x0  }
0x5d: {  	s24 =	rddreg [dreg:$0x8];
	[sflag:s1] =	ssyncadd.s32 $0xFFFFFD80  }
0x5e: {  	[spmem:s24] =	stream.linear.scatter [tilespmem:s31], [sflag:$0x7], $0x1400, $0x38;
	[tilespmem:$0x13030] =	vst v63  }
0x5f: {  	_ =	swait.ge [sflag:s1], $0x1400  }
0x60: {  	s29 =	simm.s32 $0x7B20;
	[sflag:s1] =	ssyncset.done $0x0  }
0x61: {  	s25 =	sadd.s32 $0x0, s14;
	s30 =	simm.s32 $0x20;
	[sflag:s1] =	ssyncadd.s32 $0xFFFFEC00  }
0x62: {  	[spmem:s25] =	stream.linear.scatter [tilespmem:s29], [sflag:$0x7], $0x8, $0x38;
	[tilespmem:$0x13030] =	vst v63  }
.LBB2_12:
0x63: {  	p0 =	sne.s32 s30, $0x9E0  }
.Ltmp5:
0x64: {  	_ = 	snop;
	(pc) =	sbr.rel @p0 .LBB2_12-.Ltmp5, $4  }
0x65: {  	_ = 	snop  }
0x66: {  	s24 =	sshra.s32 s30, $0x2;
	s30 =	sadd.s32 $0x20, s30  }
0x67: {  	s29 =	sadd.s32 $0x10, s29;
	s24 =	sadd.s32 s24, s14  }
0x68: {  	[spmem:s24] =	stream.linear.scatter [tilespmem:s29], [sflag:$0x7], $0x8, $0x38;
	[tilespmem:$0x13030] =	vst v63  }
0x69: {  	_ =	swait.ge [sflag:s1], $0x280  }
0x6a: {  	[sflag:s1] =	ssyncset.done $0x0  }
0x6b: {  	s24 =	rddreg [dreg:$0x9];
	[sflag:s1] =	ssyncadd.s32 $0xFFFFFD80  }
0x6c: {  	[spmem:s24] =	stream.linear.scatter [tilespmem:s31], [sflag:$0x7], $0x1400, $0x38;
	[tilespmem:$0x13030] =	vst v63  }
0x6d: {  	_ =	swait.ge [sflag:s1], $0x1400  }
0x6e: {  	s29 =	simm.s32 $0x7B20;
	[sflag:s1] =	ssyncset.done $0x0  }
0x6f: {  	s25 =	sadd.s32 $0x0, s16;
	s30 =	simm.s32 $0x20;
	[sflag:s1] =	ssyncadd.s32 $0xFFFFEC00  }
0x70: {  	[spmem:s25] =	stream.linear.scatter [tilespmem:s29], [sflag:$0x7], $0x8, $0x38;
	[tilespmem:$0x13030] =	vst v63  }
.LBB2_14:
0x71: {  	p0 =	sne.s32 s30, $0x9E0  }
.Ltmp6:
0x72: {  	_ = 	snop;
	(pc) =	sbr.rel @p0 .LBB2_14-.Ltmp6, $4  }
0x73: {  	_ = 	snop  }
0x74: {  	s24 =	sshra.s32 s30, $0x2;
	s30 =	sadd.s32 $0x20, s30  }
0x75: {  	s29 =	sadd.s32 $0x10, s29;
	s24 =	sadd.s32 s24, s16  }
0x76: {  	[spmem:s24] =	stream.linear.scatter [tilespmem:s29], [sflag:$0x7], $0x8, $0x38;
	[tilespmem:$0x13030] =	vst v63  }
0x77: {  	_ =	swait.ge [sflag:s1], $0x280  }
0x78: {  	[sflag:s1] =	ssyncset.done $0x0  }
0x79: {  	s24 =	rddreg [dreg:$0xa];
	[sflag:s1] =	ssyncadd.s32 $0xFFFFFD80  }
0x7a: {  	[spmem:s24] =	stream.linear.scatter [tilespmem:s31], [sflag:$0x7], $0x1400, $0x38;
	[tilespmem:$0x13030] =	vst v63  }
0x7b: {  	_ =	swait.ge [sflag:s1], $0x1400  }
0x7c: {  	s29 =	simm.s32 $0x7B20;
	[sflag:s1] =	ssyncset.done $0x0  }
0x7d: {  	s25 =	sadd.s32 $0x0, s19;
	s30 =	simm.s32 $0x20;
	[sflag:s1] =	ssyncadd.s32 $0xFFFFEC00  }
0x7e: {  	[spmem:s25] =	stream.linear.scatter [tilespmem:s29], [sflag:$0x7], $0x8, $0x38;
	[tilespmem:$0x13030] =	vst v63  }
.LBB2_16:
0x7f: {  	p0 =	sne.s32 s30, $0x9E0  }
.Ltmp7:
0x80: {  	_ = 	snop;
	(pc) =	sbr.rel @p0 .LBB2_16-.Ltmp7, $4  }
0x81: {  	_ = 	snop  }
0x82: {  	s24 =	sshra.s32 s30, $0x2;
	s30 =	sadd.s32 $0x20, s30  }
0x83: {  	s29 =	sadd.s32 $0x10, s29;
	s24 =	sadd.s32 s24, s19  }
0x84: {  	[spmem:s24] =	stream.linear.scatter [tilespmem:s29], [sflag:$0x7], $0x8, $0x38;
	[tilespmem:$0x13030] =	vst v63  }
0x85: {  	_ =	swait.ge [sflag:s1], $0x280  }
0x86: {  	[sflag:s1] =	ssyncset.done $0x0  }
0x87: {  	s24 =	rddreg [dreg:$0xc];
	[sflag:s1] =	ssyncadd.s32 $0xFFFFFD80  }
0x88: {  	[spmem:s24] =	stream.linear.scatter [tilespmem:s31], [sflag:$0x7], $0x1400, $0x38;
	[tilespmem:$0x13030] =	vst v63  }
0x89: {  	_ =	swait.ge [sflag:s1], $0x1400  }
0x8a: {  	s29 =	simm.s32 $0x7B20;
	[sflag:s1] =	ssyncset.done $0x0  }
0x8b: {  	s25 =	sadd.s32 $0x0, s21;
	s30 =	simm.s32 $0x20;
	[sflag:s1] =	ssyncadd.s32 $0xFFFFEC00  }
0x8c: {  	[spmem:s25] =	stream.linear.scatter [tilespmem:s29], [sflag:$0x7], $0x8, $0x38;
	[tilespmem:$0x13030] =	vst v63  }
.LBB2_18:
0x8d: {  	p0 =	sne.s32 s30, $0x9E0  }
.Ltmp8:
0x8e: {  	_ = 	snop;
	(pc) =	sbr.rel @p0 .LBB2_18-.Ltmp8, $4  }
0x8f: {  	_ = 	snop  }
0x90: {  	s24 =	sshra.s32 s30, $0x2;
	s30 =	sadd.s32 $0x20, s30  }
0x91: {  	s29 =	sadd.s32 $0x10, s29;
	s24 =	sadd.s32 s24, s21  }
0x92: {  	[spmem:s24] =	stream.linear.scatter [tilespmem:s29], [sflag:$0x7], $0x8, $0x38;
	[tilespmem:$0x13030] =	vst v63  }
0x93: {  	_ =	swait.ge [sflag:s1], $0x280  }
0x94: {  	[sflag:s1] =	ssyncset.done $0x0  }
0x95: {  	s24 =	rddreg [dreg:$0xd];
	[sflag:s1] =	ssyncadd.s32 $0xFFFFFD80  }
0x96: {  	[spmem:s24] =	stream.linear.scatter [tilespmem:s31], [sflag:$0x7], $0x1080, $0x38;
	[tilespmem:$0x13030] =	vst v63  }
0x97: {  	_ =	swait.ge [sflag:s1], $0x1080  }
0x98: {  	s29 =	simm.s32 $0x7B20;
	[sflag:s1] =	ssyncset.done $0x0  }
0x99: {  	s25 =	sadd.s32 $0x0, s23;
	s30 =	simm.s32 $0x20;
	[sflag:s1] =	ssyncadd.s32 $0xFFFFEF80  }
0x9a: {  	[spmem:s25] =	stream.linear.scatter [tilespmem:s29], [sflag:$0x7], $0x8, $0x38;
	[tilespmem:$0x13030] =	vst v63  }
.LBB2_20:
0x9b: {  	p0 =	sne.s32 s30, $0x820  }
.Ltmp9:
0x9c: {  	_ = 	snop;
	(pc) =	sbr.rel @p0 .LBB2_20-.Ltmp9, $4  }
0x9d: {  	_ = 	snop  }
0x9e: {  	s24 =	sshra.s32 s30, $0x2;
	s30 =	sadd.s32 $0x20, s30  }
0x9f: {  	s29 =	sadd.s32 $0x10, s29;
	s24 =	sadd.s32 s24, s23  }
0xa0: {  	[spmem:s24] =	stream.linear.scatter [tilespmem:s29], [sflag:$0x7], $0x8, $0x38;
	[tilespmem:$0x13030] =	vst v63  }
0xa1: {  	_ =	swait.ge [sflag:s1], $0x210  }
0xa2: {  	[sflag:s1] =	ssyncset.done $0x0  }
0xa3: {  	[sflag:s1] =	ssyncadd.s32 $0xFFFFFDF0  }
0xa4: {  	[bflag:$0x0] =	sbarrier.arrive $0xFFFF  }
0xa5: {  	s24 =	simm.s32 $0x0;
	s25 =	rddreg [dreg:$0xe]  }
0xa6: {  	[tilespmem:s24], [sflag:$0x7] =	stream.linear.gather [hbm4b:s25+s24], $0x2710, $0x38;
	[tilespmem:$0x13030] =	vst v63  }
0xa7: {  	_ =	swait.ge [sflag:s1], $0x2710  }
0xa8: {  	[sflag:s1] =	ssyncset.done $0x0  }
0xa9: {  	s29 =	simm.s32 $0x2710;
	s25 =	rddreg [dreg:$0xf];
	[sflag:s1] =	ssyncadd.s32 $0xFFFFD8F0  }
0xaa: {  	[tilespmem:s29], [sflag:$0x7] =	stream.linear.gather [hbm4b:s25+s24], $0x2710, $0x38;
	[tilespmem:$0x13030] =	vst v63  }
0xab: {  	_ =	swait.ge [sflag:s1], $0x2710  }
0xac: {  	[sflag:s1] =	ssyncset.done $0x0  }
0xad: {  	[sflag:s1] =	ssyncadd.s32 $0xFFFFD8F0  }
0xae: {  	[tilespmem:s31], [sflag:$0x1] =	stream.indirect.gather [hbm4b:s5+s0], $0x40, s24, s0, $0xb8;
	[tilespmem:$0x13030] =	vst v63  }
0xaf: {  	_ = 	snop  }
0xb0: {  	[tilespmem:s7], [sflag:$0x3] =	stream.indirect.gather [hbm4b:s6+s0], $0x8, s24, s0, $0xb8;
	[tilespmem:$0x13030] =	vst v63  }
0xb1: {  	_ = 	snop  }
0xb2: {  	[tilespmem:s9], [sflag:$0x2] =	stream.indirect.gather [hbm4b:s5+s0], $0x40, s0, s0, $0xb8;
	[tilespmem:$0x13030] =	vst v63  }
0xb3: {  	_ = 	snop  }
0xb4: {  	[tilespmem:s11], [sflag:$0x4] =	stream.indirect.gather [hbm4b:s6+s0], $0x8, s0, s0, $0xb8;
	[tilespmem:$0x13030] =	vst v63  }
0xb5: {  	_ =	swait.ge [sflag:s13], $0x1400  }
0xb6: {  	[sflag:s13] =	ssyncset.done $0x0  }
0xb7: {  	[sflag:s13] =	ssyncadd.s32 $0xFFFFEC00  }
0xb8: {  	_ =	swait.ge [sflag:s15], $0x280  }
0xb9: {  	[sflag:s15] =	ssyncset.done $0x0  }
0xba: {  	s25 =	simm.s32 $0x2710;
	[sflag:s15] =	ssyncadd.s32 $0xFFFFFD80  }
0xbb: {  	[spmem:s2] =	stream.indirect.scatter.add.bf16 [tilespmem:s31], [sflag:$0x5], $0x40, s25, s0, $0xb8;
	[tilespmem:$0x13030] =	vst v63  }
0xbc: {  	_ = 	snop  }
0xbd: {  	[spmem:s3] =	stream.indirect.scatter.add.f32 [tilespmem:s7], [sflag:$0x6], $0x8, s25, s0, $0xb8;
	[tilespmem:$0x13030] =	vst v63  }
0xbe: {  	_ =	swait.ge [sflag:s17], $0x1400  }
0xbf: {  	[sflag:s17] =	ssyncset.done $0x0  }
0xc0: {  	[sflag:s17] =	ssyncadd.s32 $0xFFFFEC00  }
0xc1: {  	_ =	swait.ge [sflag:s18], $0x280  }
0xc2: {  	[sflag:s18] =	ssyncset.done $0x0  }
0xc3: {  	s25 =	simm.s32 $0xA0;
	[sflag:s18] =	ssyncadd.s32 $0xFFFFFD80  }
0xc4: {  	[tilespmem:s31], [sflag:$0x1] =	stream.indirect.gather [hbm4b:s5+s0], $0x40, s25, s0, $0xb8;
	[tilespmem:$0x13030] =	vst v63  }
0xc5: {  	_ = 	snop  }
0xc6: {  	[tilespmem:s7], [sflag:$0x3] =	stream.indirect.gather [hbm4b:s6+s0], $0x8, s25, s0, $0xb8;
	[tilespmem:$0x13030] =	vst v63  }
0xc7: {  	_ =	swait.ge [sflag:s20], $0x1400  }
0xc8: {  	[sflag:s20] =	ssyncset.done $0x0  }
0xc9: {  	[sflag:s20] =	ssyncadd.s32 $0xFFFFEC00  }
0xca: {  	_ =	swait.ge [sflag:s22], $0x280  }
0xcb: {  	[sflag:s22] =	ssyncset.done $0x0  }
0xcc: {  	s25 =	simm.s32 $0x2760;
	[sflag:s22] =	ssyncadd.s32 $0xFFFFFD80  }
0xcd: {  	[spmem:s2] =	stream.indirect.scatter.add.bf16 [tilespmem:s9], [sflag:$0x5], $0x40, s25, s0, $0xb8;
	[tilespmem:$0x13030] =	vst v63  }
0xce: {  	_ = 	snop  }
0xcf: {  	[spmem:s3] =	stream.indirect.scatter.add.f32 [tilespmem:s11], [sflag:$0x6], $0x8, s25, s0, $0xb8;
	[tilespmem:$0x13030] =	vst v63  }
0xd0: {  	_ =	swait.ge [sflag:s17], $0x1400  }
0xd1: {  	[sflag:s17] =	ssyncset.done $0x0  }
0xd2: {  	[sflag:s17] =	ssyncadd.s32 $0xFFFFEC00  }
0xd3: {  	_ =	swait.ge [sflag:s18], $0x280  }
0xd4: {  	[sflag:s18] =	ssyncset.done $0x0  }
0xd5: {  	s30 =	simm.s32 $0xF0;
	s29 =	simm.s32 $0x280;
	[sflag:s18] =	ssyncadd.s32 $0xFFFFFD80  }
0xd6: {  	[tilespmem:s9], [sflag:$0x2] =	stream.indirect.gather [hbm4b:s5+s0], $0x40, s30, s0, $0xb8;
	[tilespmem:$0x13030] =	vst v63  }
.LBB2_22:
0xd7: {  	[tilespmem:s11], [sflag:$0x4] =	stream.indirect.gather [hbm4b:s6+s0], $0x8, s30, s0, $0xb8;
	[tilespmem:$0x13030] =	vst v63  }
0xd8: {  	s24 =	smov.u32 s29  }
0xd9: {  	p0 =	sne.s32 s29, $0x9600;
	s29 =	sadd.s32 $0x280, s29;
	_ =	swait.ge [sflag:s13], $0x1400  }
0xda: {  	[sflag:s13] =	ssyncset.done $0x0  }
0xdb: {  	[sflag:s13] =	ssyncadd.s32 $0xFFFFEC00  }
0xdc: {  	_ =	swait.ge [sflag:s15], $0x280  }
0xdd: {  	s24 =	sshra.s32 s24, $0x2;
	[sflag:s15] =	ssyncset.done $0x0  }
0xde: {  	s25 =	sadd.s32 $0x2710, s24;
	[sflag:s15] =	ssyncadd.s32 $0xFFFFFD80  }
0xdf: {  	[spmem:s2] =	stream.indirect.scatter.add.bf16 [tilespmem:s31], [sflag:$0x5], $0x40, s25, s0, $0xb8;
	[tilespmem:$0x13030] =	vst v63  }
0xe0: {  	_ = 	snop  }
0xe1: {  	[spmem:s3] =	stream.indirect.scatter.add.f32 [tilespmem:s7], [sflag:$0x6], $0x8, s25, s0, $0xb8;
	[tilespmem:$0x13030] =	vst v63  }
0xe2: {  	_ =	swait.ge [sflag:s17], $0x1400  }
0xe3: {  	[sflag:s17] =	ssyncset.done $0x0  }
0xe4: {  	[sflag:s17] =	ssyncadd.s32 $0xFFFFEC00  }
0xe5: {  	_ =	swait.ge [sflag:s18], $0x280  }
0xe6: {  	[sflag:s18] =	ssyncset.done $0x0  }
0xe7: {  	s25 =	sadd.s32 $0xA0, s24;
	[sflag:s18] =	ssyncadd.s32 $0xFFFFFD80  }
0xe8: {  	[tilespmem:s31], [sflag:$0x1] =	stream.indirect.gather [hbm4b:s5+s0], $0x40, s25, s0, $0xb8;
	[tilespmem:$0x13030] =	vst v63  }
0xe9: {  	_ = 	snop  }
0xea: {  	[tilespmem:s7], [sflag:$0x3] =	stream.indirect.gather [hbm4b:s6+s0], $0x8, s25, s0, $0xb8;
	[tilespmem:$0x13030] =	vst v63  }
0xeb: {  	_ =	swait.ge [sflag:s20], $0x1400  }
0xec: {  	[sflag:s20] =	ssyncset.done $0x0  }
0xed: {  	[sflag:s20] =	ssyncadd.s32 $0xFFFFEC00  }
0xee: {  	_ =	swait.ge [sflag:s22], $0x280  }
0xef: {  	[sflag:s22] =	ssyncset.done $0x0  }
0xf0: {  	s25 =	sadd.s32 $0x2760, s24;
	[sflag:s22] =	ssyncadd.s32 $0xFFFFFD80  }
0xf1: {  	[spmem:s2] =	stream.indirect.scatter.add.bf16 [tilespmem:s9], [sflag:$0x5], $0x40, s25, s0, $0xb8;
	[tilespmem:$0x13030] =	vst v63  }
0xf2: {  	_ = 	snop  }
0xf3: {  	[spmem:s3] =	stream.indirect.scatter.add.f32 [tilespmem:s11], [sflag:$0x6], $0x8, s25, s0, $0xb8;
	[tilespmem:$0x13030] =	vst v63  }
0xf4: {  	_ =	swait.ge [sflag:s17], $0x1400  }
0xf5: {  	[sflag:s17] =	ssyncset.done $0x0  }
.Ltmp10:
0xf6: {  	[sflag:s17] =	ssyncadd.s32 $0xFFFFEC00;
	(pc) =	sbr.rel @p0 .LBB2_22-.Ltmp10, $4  }
0xf7: {  	_ =	swait.ge [sflag:s18], $0x280  }
0xf8: {  	[sflag:s18] =	ssyncset.done $0x0  }
0xf9: {  	s30 =	sadd.s32 $0xF0, s24;
	[sflag:s18] =	ssyncadd.s32 $0xFFFFFD80  }
0xfa: {  	[tilespmem:s9], [sflag:$0x2] =	stream.indirect.gather [hbm4b:s5+s0], $0x40, s30, s0, $0xb8;
	[tilespmem:$0x13030] =	vst v63  }
0xfb: {  	[tilespmem:s11], [sflag:$0x4] =	stream.indirect.gather [hbm4b:s6+s0], $0x8, s30, s0, $0xb8;
	[tilespmem:$0x13030] =	vst v63  }
0xfc: {  	_ =	swait.ge [sflag:s13], $0x1400  }
0xfd: {  	[sflag:s13] =	ssyncset.done $0x0  }
0xfe: {  	[sflag:s13] =	ssyncadd.s32 $0xFFFFEC00  }
0xff: {  	_ =	swait.ge [sflag:s15], $0x280  }
0x100: {  	[sflag:s15] =	ssyncset.done $0x0  }
0x101: {  	s24 =	simm.s32 $0x4D30;
	[sflag:s15] =	ssyncadd.s32 $0xFFFFFD80  }
0x102: {  	[spmem:s2] =	stream.indirect.scatter.add.bf16 [tilespmem:s31], [sflag:$0x5], $0x40, s24, s0, $0xb8;
	[tilespmem:$0x13030] =	vst v63  }
0x103: {  	_ = 	snop  }
0x104: {  	[spmem:s3] =	stream.indirect.scatter.add.f32 [tilespmem:s7], [sflag:$0x6], $0x8, s24, s0, $0xb8;
	[tilespmem:$0x13030] =	vst v63  }
0x105: {  	_ =	swait.ge [sflag:s17], $0x1400  }
0x106: {  	[sflag:s17] =	ssyncset.done $0x0  }
0x107: {  	[sflag:s17] =	ssyncadd.s32 $0xFFFFEC00  }
0x108: {  	_ =	swait.ge [sflag:s18], $0x280  }
0x109: {  	[sflag:s18] =	ssyncset.done $0x0  }
0x10a: {  	s25 =	simm.s32 $0x26C0;
	[sflag:s18] =	ssyncadd.s32 $0xFFFFFD80  }
0x10b: {  	[tilespmem:s31], [sflag:$0x1] =	stream.indirect.gather [hbm4b:s5+s0], $0x40, s25, s0, $0xb8;
	[tilespmem:$0x13030] =	vst v63  }
0x10c: {  	_ = 	snop  }
0x10d: {  	[tilespmem:s7], [sflag:$0x3] =	stream.indirect.gather [hbm4b:s6+s0], $0x8, s25, s0, $0xb8;
	[tilespmem:$0x13030] =	vst v63  }
0x10e: {  	_ =	swait.ge [sflag:s20], $0x1400  }
0x10f: {  	[sflag:s20] =	ssyncset.done $0x0  }
0x110: {  	[sflag:s20] =	ssyncadd.s32 $0xFFFFEC00  }
0x111: {  	_ =	swait.ge [sflag:s22], $0x280  }
0x112: {  	[sflag:s22] =	ssyncset.done $0x0  }
0x113: {  	[sflag:s22] =	ssyncadd.s32 $0xFFFFFD80  }
0x114: {  	[spmem:s2] =	stream.indirect.scatter.add.bf16 [tilespmem:s9], [sflag:$0x5], $0x40, s26, s0, $0xb8;
	[tilespmem:$0x13030] =	vst v63  }
0x115: {  	_ = 	snop  }
0x116: {  	[spmem:s3] =	stream.indirect.scatter.add.f32 [tilespmem:s11], [sflag:$0x6], $0x8, s26, s0, $0xb8;
	[tilespmem:$0x13030] =	vst v63  }
0x117: {  	_ =	swait.ge [sflag:s17], $0x1400  }
0x118: {  	[sflag:s17] =	ssyncset.done $0x0  }
0x119: {  	[sflag:s17] =	ssyncadd.s32 $0xFFFFEC00  }
0x11a: {  	_ =	swait.ge [sflag:s18], $0x280  }
0x11b: {  	[sflag:s18] =	ssyncset.done $0x0  }
0x11c: {  	[sflag:s18] =	ssyncadd.s32 $0xFFFFFD80  }
0x11d: {  	_ =	swait.ge [sflag:s13], $0x1400  }
0x11e: {  	[sflag:s13] =	ssyncset.done $0x0  }
0x11f: {  	[sflag:s13] =	ssyncadd.s32 $0xFFFFEC00  }
0x120: {  	_ =	swait.ge [sflag:s15], $0x280  }
0x121: {  	[sflag:s15] =	ssyncset.done $0x0  }
0x122: {  	[sflag:s15] =	ssyncadd.s32 $0xFFFFFD80  }
0x123: {  	[spmem:s2] =	stream.indirect.scatter.add.bf16 [tilespmem:s31], [sflag:$0x5], $0x40, s28, s0, $0xb8;
	[tilespmem:$0x13030] =	vst v63  }
0x124: {  	_ = 	snop  }
0x125: {  	[spmem:s3] =	stream.indirect.scatter.add.f32 [tilespmem:s7], [sflag:$0x6], $0x8, s28, s0, $0xb8;
	[tilespmem:$0x13030] =	vst v63  }
0x126: {  	_ =	swait.ge [sflag:s17], $0x1400  }
0x127: {  	[sflag:s17] =	ssyncset.done $0x0  }
0x128: {  	[sflag:s17] =	ssyncadd.s32 $0xFFFFEC00  }
0x129: {  	_ =	swait.ge [sflag:s18], $0x280  }
0x12a: {  	[sflag:s18] =	ssyncset.done $0x0  }
0x12b: {  	[sflag:s18] =	ssyncadd.s32 $0xFFFFFD80  }
0x12c: {  	s29 =	stileid.u32;
	[bflag:$0x0] =	sbarrier.arrive $0xFFFF  }
0x12d: {  	s24 =	sshll.u32 s29, $0x6;
	s25 =	rddreg [dreg:$0xb]  }
0x12e: {  	s24 =	sor.u32 $0x1C07, s24;
	s29 =	rddreg [dreg:$0x12]  }
0x12f: {  	[hbm:s25], [sflag:s24] =	dma.local [spmem:s29], $0x1388  }
0x130: {  	_ =	swait.ge [sflag:s1], $0x1388  }
0x131: {  	[sflag:s1] =	ssyncset.done $0x0;
	s25 =	rddreg [dreg:$0x10]  }
0x132: {  	s30 =	simm.s32 $0x10;
	s29 =	rddreg [dreg:$0x13];
	[sflag:s1] =	ssyncadd.s32 $0xFFFFEC78  }
0x133: {  	[hbm:s25@s30], [sflag:s24] =	dma.strided [spmem:s29@s13], $0x271, s13, $0x1   }
0x134: {  	_ =	swait.ge [sflag:s1], $0x271  }
0x135: {  	s4 =	sadd.s32 $0x1, s4;
	s30 =	rddreg [dreg:$0x11]  }
0x136: {  	p0 =	sne.s32 s4, s30  }
.Ltmp11:
0x137: {  	_ = 	snop;
	(pc) =	sbr.rel @p0 .LBB2_1-.Ltmp11, $3  }
0x138: {  	_ =	sdelay $0x1  }
0x139: {  	[sflag:s1] =	ssyncset.done $0x0  }
0x13a: {  	[sflag:s1] =	ssyncadd.s32 $0xFFFFFD8F  }
0x13b: {  	_ =	sfence.sel $0x180000  }
0x13c: {  	[bflag:$0x0] =	sbarrier.arrive $0xFFFF  }
0x13d: {  	_ =	strace $0x90000047  }
0x13e: {  	s0 =	stileid.u32;
	[bflag:$0x2] =	sbarrier.arrive $0xFFFF  }
0x13f: {  	p0 =	sne.s32 s0, $0x0;
	s0 =	rddreg [dreg:$0x4]  }
0x140: {  	s0 =	sadd.s32 @!p0 $0x100000, s0  }
0x141: {  	[sflag:s0] =	ssyncadd.tile.s32 @!p0 $0x1;
	_ =	shalt  }
.Lfunc_end2:
_tile_overlayer_lowered:
.L_overlay_start_2:
0x142: {  	(tag) =	ssettag $0x2  }
0x143: {  	s0 =	rddreg [dreg:$0x0];
	s2 =	stileid.u32  }
0x144: {  	s1 =	rddreg [dreg:$0x1];
	p0 =	sne.s32 s2, $0x0  }
0x145: {  	s3 =	rddreg [dreg:$0x2];
	[bflag:$0x3] =	sbarrier.arrive $0xFFFF;
	s2 =	simm.s32 @!p0 $0x1C07  }
0x146: {  	[timem:s3], [sflag:s2] =	dma.local @!p0 [hbm:s0], s1  }
0x147: {  	s0 =	simm.s32 @!p0 $0x7  }
0x148: {  	_ =	swait.ge @!p0 [sflag:s0], s1  }
0x149: {  	s1 =	ssub.s32 @!p0 $0x0, s1;
	[sflag:s0] =	ssyncset.done @!p0 $0x0  }
0x14a: {  	[sflag:s0] =	ssyncadd.s32 @!p0 s1  }
0x14b: {  	[bflag:$0x3] =	sbarrier.arrive $0xFFFF  }
0x14c: {  	_ =	shalt  }

</sc_bundles>
